<compile_context>
chip_gen: v7x
topology: tpu7x:2x2x1
jax: 0.10.2.dev20260603
libtpu: 0.0.44.dev20260713+nightly
codegen_flags: <defaults>
</compile_context>

<pallas_src>
import functools

import jax
import jax.numpy as jnp
from jax import lax
from jax.experimental import pallas as pl
from jax.experimental.pallas import tpu as pltpu
from jax.experimental.pallas import tpu_sc as plsc

N = 10000
E = 160000
F = 16
D = 128
B = 50
L = 200
NT = 8
ET = 16
DEPTH = 3

NC = 2
NS = 16
NW = NC * NS

NP = 10240
EP = 163840
BP = 56
KE = 128
NCHUNK = EP // (NW * KE)
EW = NCHUNK * KE
ROWS_W = NP // NW
KG = 80
GCHUNK = ROWS_W // KG


def _pre_body(nf_ref, nt_ref, wf_ref, bf_ref, te_ref, ee_ref, wtop_ref,
              wbot_ref, bm_ref, pre_ref, npw_ref, eb_ref):
    dense = jnp.tanh(
        jnp.dot(nf_ref[...], wf_ref[...], preferred_element_type=jnp.float32)
        + bf_ref[...])
    oh = (nt_ref[...] == lax.broadcasted_iota(jnp.int32, (N, NT), 1)
          ).astype(jnp.float32)
    pre = dense + jnp.dot(oh, te_ref[...], preferred_element_type=jnp.float32, precision=lax.Precision.HIGHEST)
    pre_ref[...] = pre
    npw_ref[...] = jnp.dot(pre, wtop_ref[...],
                           preferred_element_type=jnp.float32)
    eb_ref[...] = jnp.dot(ee_ref[...], wbot_ref[...],
                          preferred_element_type=jnp.float32) + bm_ref[...]


def _pre_call(nf, nt2, w_feat, b_feat, type_emb, edge_emb, wtop, wbot, bm):
    return pl.pallas_call(
        _pre_body,
        out_shape=(
            jax.ShapeDtypeStruct((N, D), jnp.float32),
            jax.ShapeDtypeStruct((N, D), jnp.float32),
            jax.ShapeDtypeStruct((ET, D), jnp.float32),
        ),
    )(nf, nt2, w_feat, b_feat, type_emb, edge_emb, wtop, wbot, bm)


def _gru_body(x0_ref, wih_ref, whh_ref, bih_ref, bhh_ref, out_ref,
              seq_ref, h_ref, gi_ref):
    l = pl.program_id(0)
    t = pl.program_id(1)

    @pl.when(t == 0)
    def _():
        h_ref[...] = jnp.zeros_like(h_ref)
        x_all = jnp.where(l == 0, x0_ref[...], seq_ref[...])
        gi_all = jnp.dot(x_all.reshape(L * BP, D), wih_ref[0],
                         preferred_element_type=jnp.float32) + bih_ref[0]
        gi_ref[...] = gi_all.reshape(L, BP, 3 * D)

    gi = gi_ref[pl.ds(t, 1)][0]
    h = h_ref[...]
    gh = jnp.dot(h, whh_ref[0], preferred_element_type=jnp.float32) \
        + bhh_ref[0]
    r = jax.nn.sigmoid(gi[:, :D] + gh[:, :D])
    z = jax.nn.sigmoid(gi[:, D:2 * D] + gh[:, D:2 * D])
    n = jnp.tanh(gi[:, 2 * D:] + r * gh[:, 2 * D:])
    hnew = (1.0 - z) * n + z * h
    h_ref[...] = hnew
    seq_ref[pl.ds(t, 1)] = hnew[None]
    out_ref[0] = hnew


def _gru_call(x0p, wih_all, whh_all, bih_all, bhh_all):
    return pl.pallas_call(
        _gru_body,
        grid=(3, L),
        in_specs=[
            pl.BlockSpec((L, BP, D), lambda l, t: (0, 0, 0)),
            pl.BlockSpec((1, D, 3 * D), lambda l, t: (l, 0, 0)),
            pl.BlockSpec((1, D, 3 * D), lambda l, t: (l, 0, 0)),
            pl.BlockSpec((1, 1, 3 * D), lambda l, t: (l, 0, 0)),
            pl.BlockSpec((1, 1, 3 * D), lambda l, t: (l, 0, 0)),
        ],
        out_specs=pl.BlockSpec((1, BP, D), lambda l, t: (t, 0, 0)),
        out_shape=jax.ShapeDtypeStruct((L, BP, D), jnp.float32),
        scratch_shapes=[
            pltpu.VMEM((L, BP, D), jnp.float32),
            pltpu.VMEM((BP, D), jnp.float32),
            pltpu.VMEM((L, BP, 3 * D), jnp.float32),
        ],
    )(x0p, wih_all, whh_all, bih_all, bhh_all)


def _gather2_body(pre_hbm, npw_hbm, idx_hbm, h0_hbm, hw0_hbm,
                  idx_v, rows_a, rows_b, sem_a, sem_b):
    c = lax.axis_index("c")
    s = lax.axis_index("s")
    w = s * NC + c
    base = w * ROWS_W

    def chunk(i, _):
        off = base + i * KG
        pltpu.sync_copy(idx_hbm.at[pl.ds(off, KG)], idx_v)
        cp_a = pltpu.async_copy(pre_hbm.at[idx_v], rows_a, sem_a)
        cp_b = pltpu.async_copy(npw_hbm.at[idx_v], rows_b, sem_b)
        cp_a.wait()
        cp_b.wait()
        pltpu.sync_copy(rows_a, h0_hbm.at[pl.ds(off, KG)])
        pltpu.sync_copy(rows_b, hw0_hbm.at[pl.ds(off, KG)])
        return 0

    lax.fori_loop(0, GCHUNK, chunk, 0)


def _gather2_call(node_pre, npw, idxp):
    mesh = plsc.VectorSubcoreMesh(core_axis_name="c", subcore_axis_name="s")
    f = pl.kernel(
        _gather2_body,
        out_type=(
            jax.ShapeDtypeStruct((NP, D), jnp.float32),
            jax.ShapeDtypeStruct((NP, D), jnp.float32),
        ),
        mesh=mesh,
        scratch_types=[
            pltpu.VMEM((KG,), jnp.int32),
            pltpu.VMEM((KG, D), jnp.float32),
            pltpu.VMEM((KG, D), jnp.float32),
            pltpu.SemaphoreType.DMA,
            pltpu.SemaphoreType.DMA,
        ],
    )
    return f(node_pre, npw, idxp)


def _mp_body(tab_hbm, cmb_hbm, dst_hbm, zero_hbm, parts_hbm,
             acc_sh, cmb_v, dst_v, rows, sem):
    c = lax.axis_index("c")
    s = lax.axis_index("s")
    w = c * NS + s
    stripe = NP // NS

    pltpu.sync_copy(cmb_hbm.at[w], cmb_v)
    pltpu.sync_copy(dst_hbm.at[w], dst_v)

    pltpu.sync_copy(zero_hbm.at[pl.ds(s * stripe, stripe)],
                    acc_sh.at[pl.ds(s * stripe, stripe)])
    plsc.subcore_barrier()

    def chunk(i, _):
        cp = pltpu.async_copy(tab_hbm.at[cmb_v.at[i]], rows, sem)
        cp.wait()
        pltpu.sync_copy(rows, acc_sh.at[dst_v.at[i]], add=True)
        return 0

    lax.fori_loop(0, NCHUNK, chunk, 0)
    plsc.subcore_barrier()
    pltpu.sync_copy(acc_sh.at[pl.ds(s * stripe, stripe)],
                    parts_hbm.at[c, pl.ds(s * stripe, stripe)])


def _mp_call(tab, cmb3, dst3, zeros_np):
    mesh = plsc.VectorSubcoreMesh(core_axis_name="c", subcore_axis_name="s")
    f = pl.kernel(
        _mp_body,
        out_type=jax.ShapeDtypeStruct((NC, NP, D), jnp.float32),
        mesh=mesh,
        scratch_types=[
            pltpu.VMEM_SHARED((NP, D), jnp.float32),
            pltpu.VMEM((NCHUNK, KE), jnp.int32),
            pltpu.VMEM((NCHUNK, KE), jnp.int32),
            pltpu.VMEM((KE, D), jnp.float32),
            pltpu.SemaphoreType.DMA,
        ],
    )
    return f(tab, cmb3, dst3, zeros_np)


_TRB = 1000


def _table_body(hw_ref, eb_ref, tab_ref):
    t = jnp.tanh(hw_ref[...][:, None, :] + eb_ref[...][None, :, :])
    tab_ref[...] = t.reshape(_TRB * ET, D)


def _table_call(hw, ebias):
    return pl.pallas_call(
        _table_body,
        grid=(N // _TRB,),
        in_specs=[
            pl.BlockSpec((_TRB, D), lambda i: (i, 0)),
            pl.BlockSpec((ET, D), lambda i: (0, 0)),
        ],
        out_specs=pl.BlockSpec((_TRB * ET, D), lambda i: (i, 0)),
        out_shape=jax.ShapeDtypeStruct((N * ET, D), jnp.float32),
    )(hw, ebias)


def _cell_body(p0_ref, p1_ref, h_ref, wih_ref, whh_ref, bih_ref, bhh_ref,
               hn_ref):
    agg = p0_ref[...] + p1_ref[...]
    h = h_ref[...]
    gi = jnp.dot(agg, wih_ref[...], preferred_element_type=jnp.float32) \
        + bih_ref[...]
    gh = jnp.dot(h, whh_ref[...], preferred_element_type=jnp.float32) \
        + bhh_ref[...]
    r = jax.nn.sigmoid(gi[:, :D] + gh[:, :D])
    z = jax.nn.sigmoid(gi[:, D:2 * D] + gh[:, D:2 * D])
    n = jnp.tanh(gi[:, 2 * D:] + r * gh[:, 2 * D:])
    hn_ref[...] = (1.0 - z) * n + z * h


def _cellt_body(p0_ref, p1_ref, h_ref, wih_ref, whh_ref, bih_ref, bhh_ref,
                wtop_ref, eb_ref, hn_ref, tab_ref):
    agg = p0_ref[...] + p1_ref[...]
    h = h_ref[...]
    gi = jnp.dot(agg, wih_ref[...], preferred_element_type=jnp.float32) \
        + bih_ref[...]
    gh = jnp.dot(h, whh_ref[...], preferred_element_type=jnp.float32) \
        + bhh_ref[...]
    r = jax.nn.sigmoid(gi[:, :D] + gh[:, :D])
    z = jax.nn.sigmoid(gi[:, D:2 * D] + gh[:, D:2 * D])
    n = jnp.tanh(gi[:, 2 * D:] + r * gh[:, 2 * D:])
    hnew = (1.0 - z) * n + z * h
    hn_ref[...] = hnew
    hw = jnp.dot(hnew, wtop_ref[...], preferred_element_type=jnp.float32)
    t = jnp.tanh(hw[:, None, :] + eb_ref[...][None, :, :])
    tab_ref[...] = t.reshape(_RB * ET, D)


_RB = 1000


def _cell_call(parts, h, wih, whh, bih, bhh):
    p0 = parts[0, :N]
    p1 = parts[1, :N]
    return pl.pallas_call(
        _cell_body,
        grid=(N // _RB,),
        in_specs=[
            pl.BlockSpec((_RB, D), lambda i: (i, 0)),
            pl.BlockSpec((_RB, D), lambda i: (i, 0)),
            pl.BlockSpec((_RB, D), lambda i: (i, 0)),
            pl.BlockSpec((D, 3 * D), lambda i: (0, 0)),
            pl.BlockSpec((D, 3 * D), lambda i: (0, 0)),
            pl.BlockSpec((1, 3 * D), lambda i: (0, 0)),
            pl.BlockSpec((1, 3 * D), lambda i: (0, 0)),
        ],
        out_specs=pl.BlockSpec((_RB, D), lambda i: (i, 0)),
        out_shape=jax.ShapeDtypeStruct((N, D), jnp.float32),
    )(p0, p1, h, wih, whh, bih, bhh)


def _cellt_call(parts, h, wih, whh, bih, bhh, wtop, ebias):
    p0 = parts[0, :N]
    p1 = parts[1, :N]
    return pl.pallas_call(
        _cellt_body,
        grid=(N // _RB,),
        in_specs=[
            pl.BlockSpec((_RB, D), lambda i: (i, 0)),
            pl.BlockSpec((_RB, D), lambda i: (i, 0)),
            pl.BlockSpec((_RB, D), lambda i: (i, 0)),
            pl.BlockSpec((D, 3 * D), lambda i: (0, 0)),
            pl.BlockSpec((D, 3 * D), lambda i: (0, 0)),
            pl.BlockSpec((1, 3 * D), lambda i: (0, 0)),
            pl.BlockSpec((1, 3 * D), lambda i: (0, 0)),
            pl.BlockSpec((D, D), lambda i: (0, 0)),
            pl.BlockSpec((ET, D), lambda i: (0, 0)),
        ],
        out_specs=(
            pl.BlockSpec((_RB, D), lambda i: (i, 0)),
            pl.BlockSpec((_RB * ET, D), lambda i: (i, 0)),
        ),
        out_shape=(
            jax.ShapeDtypeStruct((N, D), jnp.float32),
            jax.ShapeDtypeStruct((N * ET, D), jnp.float32),
        ),
    )(p0, p1, h, wih, whh, bih, bhh, wtop, ebias)


def _post_body(np_ref, go_ref, gid_ref, lgni_ref, wp_ref, bp_ref,
               wm_ref, bm_ref, out_ref):
    ohg = (lax.broadcasted_iota(jnp.int32, (B, N), 0) == gid_ref[...]
           ).astype(jnp.float32)
    pooled = jnp.dot(ohg, np_ref[...], preferred_element_type=jnp.float32, precision=lax.Precision.HIGHEST)
    gp = jnp.tanh(
        jnp.dot(pooled, wp_ref[...], preferred_element_type=jnp.float32)
        + bp_ref[...])
    ohl = (lax.broadcasted_iota(jnp.int32, (B, N), 1) == lgni_ref[...]
           ).astype(jnp.float32)
    ge = jnp.dot(ohl, go_ref[...], preferred_element_type=jnp.float32, precision=lax.Precision.HIGHEST)
    cat = jnp.concatenate([ge, gp], axis=-1)
    out_ref[...] = (
        jnp.dot(cat, wm_ref[...], preferred_element_type=jnp.float32)
        + bm_ref[...])


def _post_call(node_post, gru_out, gid2, lgni2, w_post, b_post,
               w_merge, b_merge):
    return pl.pallas_call(
        _post_body,
        out_shape=jax.ShapeDtypeStruct((B, D), jnp.float32),
    )(node_post, gru_out, gid2, lgni2, w_post, b_post, w_merge, b_merge)


def kernel(node_features, node_types, last_graph_node_index,
           node_features_graph_index, edge_types, edge_index, graph_ids,
           W_feat, b_feat, type_emb, gru_params, edge_emb, W_msg, b_msg,
           cell_Wih, cell_Whh, cell_bih, cell_bhh, W_post, b_post,
           W_merge, b_merge):
    nt2 = node_types.astype(jnp.int32).reshape(N, 1)
    wtop = W_msg[:D]
    wbot = W_msg[D:]
    bm2 = b_msg.reshape(1, D)

    node_pre, npw, ebias = _pre_call(
        node_features, nt2, W_feat, b_feat.reshape(1, D), type_emb,
        edge_emb, wtop, wbot, bm2)

    x0p = jnp.pad(node_pre.reshape(L, B, D), ((0, 0), (0, BP - B), (0, 0)))
    wih_all = jnp.stack([g[0] for g in gru_params])
    whh_all = jnp.stack([g[1] for g in gru_params])
    bih_all = jnp.stack([g[2] for g in gru_params]).reshape(3, 1, 3 * D)
    bhh_all = jnp.stack([g[3] for g in gru_params]).reshape(3, 1, 3 * D)
    gru_seq = _gru_call(x0p, wih_all, whh_all, bih_all, bhh_all)
    gru_out = gru_seq[:, :B, :].reshape(N, D)

    idxp = jnp.pad(node_features_graph_index.astype(jnp.int32), (0, NP - N))
    h0p, hw0p = _gather2_call(node_pre, npw, idxp)
    h = h0p[:N]
    tab = _table_call(hw0p[:N], ebias)

    srcp = jnp.pad(edge_index[0].astype(jnp.int32), (0, EP - E))
    etp = jnp.pad(edge_types.astype(jnp.int32), (0, EP - E))
    dstp = jnp.pad(edge_index[1].astype(jnp.int32), (0, EP - E),
                   constant_values=N)
    cmb3 = (srcp * ET + etp).reshape(NW, NCHUNK, KE)
    dst3 = dstp.reshape(NW, NCHUNK, KE)
    zeros_np = jnp.zeros((NP, D), jnp.float32)

    for d in range(DEPTH):
        parts = _mp_call(tab, cmb3, dst3, zeros_np)
        if d < DEPTH - 1:
            h, tab = _cellt_call(parts, h, cell_Wih, cell_Whh,
                                 cell_bih.reshape(1, 3 * D),
                                 cell_bhh.reshape(1, 3 * D), wtop, ebias)
        else:
            h = _cell_call(parts, h, cell_Wih, cell_Whh,
                           cell_bih.reshape(1, 3 * D),
                           cell_bhh.reshape(1, 3 * D))

    node_post = h
    merged = _post_call(
        node_post, gru_out,
        graph_ids.astype(jnp.int32).reshape(1, N),
        last_graph_node_index.astype(jnp.int32).reshape(B, 1),
        W_post, b_post.reshape(1, 2 * D),
        W_merge, b_merge.reshape(1, D))
    return (node_post, merged)

# --- scband reference (transcript-rebuilt; emitter-appended) ---
"""Pipeline reference for scband-global-embedding-model-core-87153476370858 (READ-ONLY COPY).

The authoritative reference and input builder live on the scoring server;
editing this copy changes nothing except your own understanding.
"""

import jax, jax.numpy as jnp
import numpy as np

N = 10000   # total nodes
E = 160000  # total edges
F = 16      # numerical features per node
D = 128     # embedding_dim
B = 50      # graphs in batch (sequences)
L = 200     # nodes per graph/sequence (N = L*B)
NT = 8      # node types
ET = 16     # edge types
DEPTH = 3


def setup_inputs(seed: int = 0) -> dict:
    key = jax.random.key(seed)
    ks = jax.random.split(key, 32)
    s = 0.05
    inp = {}
    inp["node_features"] = jax.random.normal(ks[0], (N, F), dtype=jnp.float32)
    inp["node_types"] = jax.random.randint(ks[1], (N,), 0, NT)
    inp["last_graph_node_index"] = jax.random.randint(ks[2], (B,), 0, N)
    inp["node_features_graph_index"] = jax.random.randint(ks[3], (N,), 0, N)
    inp["edge_types"] = jax.random.randint(ks[4], (E,), 0, ET)
    inp["edge_index"] = jax.random.randint(ks[5], (2, E), 0, N)
    inp["graph_ids"] = jnp.sort(jax.random.randint(ks[6], (N,), 0, B))
    # numerical feature encoding + type embedding (DenseSparsePreEmbedding)
    inp["W_feat"] = jax.random.normal(ks[7], (F, D)) * s
    inp["b_feat"] = jnp.zeros((D,), dtype=jnp.float32)
    inp["type_emb"] = jax.random.normal(ks[8], (NT, D)) * s
    # 3-layer GRU (global_entity_embedding)
    gru = []
    for l in range(3):
        gru.append((jax.random.normal(ks[9 + l], (D, 3 * D)) * s,
                    jax.random.normal(ks[12 + l], (D, 3 * D)) * s,
                    jnp.zeros((3 * D,), dtype=jnp.float32),
                    jnp.zeros((3 * D,), dtype=jnp.float32)))
    inp["gru_params"] = tuple(gru)
    # edge embedding table
    inp["edge_emb"] = jax.random.normal(ks[15], (ET, D)) * s
    # ConcatenateLinear message fn: concat(src_node, edge) -> D
    inp["W_msg"] = jax.random.normal(ks[16], (2 * D, D)) * s
    inp["b_msg"] = jnp.zeros((D,), dtype=jnp.float32)
    # GRUCell node update
    inp["cell_Wih"] = jax.random.normal(ks[17], (D, 3 * D)) * s
    inp["cell_Whh"] = jax.random.normal(ks[18], (D, 3 * D)) * s
    inp["cell_bih"] = jnp.zeros((3 * D,), dtype=jnp.float32)
    inp["cell_bhh"] = jnp.zeros((3 * D,), dtype=jnp.float32)
    # GraphPostEmbedding: pooled -> 2*D
    inp["W_post"] = jax.random.normal(ks[19], (D, 2 * D)) * s
    inp["b_post"] = jnp.zeros((2 * D,), dtype=jnp.float32)
    # merge_global_embedding: concat(D, 2D) -> D
    inp["W_merge"] = jax.random.normal(ks[20], (3 * D, D)) * s
    inp["b_merge"] = jnp.zeros((D,), dtype=jnp.float32)
    return inp


def _gru_cell(x, h, Wih, Whh, bih, bhh):
    gi = x @ Wih + bih
    gh = h @ Whh + bhh
    ir, iz, inn = jnp.split(gi, 3, axis=-1)
    hr, hz, hn = jnp.split(gh, 3, axis=-1)
    r = jax.nn.sigmoid(ir + hr)
    z = jax.nn.sigmoid(iz + hz)
    n = jnp.tanh(inn + r * hn)
    return (1.0 - z) * n + z * h


def reference(node_features, node_types, last_graph_node_index,
              node_features_graph_index, edge_types, edge_index, graph_ids,
              W_feat, b_feat, type_emb, gru_params, edge_emb, W_msg, b_msg,
              cell_Wih, cell_Whh, cell_bih, cell_bhh, W_post, b_post,
              W_merge, b_merge):
    # entity embeddings: dense numerical encoding + sparse type embedding
    dense = jnp.tanh(node_features @ W_feat + b_feat)
    node_pre = dense + jnp.take(type_emb, node_types, axis=0)
    # global embedding: 3-layer GRU over packed (time-major) node sequences
    x = node_pre.reshape(L, B, D)
    for (Wih, Whh, bih, bhh) in gru_params:
        def step(h, xt):
            h2 = _gru_cell(xt, h, Wih, Whh, bih, bhh)
            return h2, h2
        _, x = jax.lax.scan(step, jnp.zeros((B, D), dtype=x.dtype), x)
    out_flat = x.reshape(N, D)
    global_embedding = jnp.take(out_flat, last_graph_node_index, axis=0)
    # message passing
    h = jnp.take(node_pre, node_features_graph_index, axis=0)
    e = jnp.take(edge_emb, edge_types, axis=0)
    src = edge_index[0]
    dst = edge_index[1]
    for _ in range(DEPTH):
        msg_in = jnp.concatenate([jnp.take(h, src, axis=0), e], axis=-1)
        msg = jnp.tanh(msg_in @ W_msg + b_msg)
        agg = jax.ops.segment_sum(msg, dst, num_segments=N)
        h = _gru_cell(agg, h, cell_Wih, cell_Whh, cell_bih, cell_bhh)
    node_post = h
    # graph post-embedding: per-graph pooling -> 2*D
    pooled = jax.ops.segment_sum(node_post, graph_ids, num_segments=B)
    graph_post = jnp.tanh(pooled @ W_post + b_post)
    # merge global + graph embeddings
    merged = jnp.concatenate([global_embedding, graph_post], axis=-1) @ W_merge + b_merge
    return (node_post, merged)

if __name__ == "__main__":
    import jax
    _d = setup_inputs()
    print(jax.jit(kernel)(*tuple(_d.values())))

</pallas_src>

<mosaic_0001>
#map = affine_map<(d0, d1) -> (0, 0)>
#map1 = affine_map<(d0, d1) -> (0)>
module attributes {stable_mosaic.version = 14 : i64} {
  func.func @_gather2_body(%arg0: i32, %arg1: i32, %arg2: memref<10000x128xf32, #tpu.memory_space<hbm>>, %arg3: memref<10000x128xf32, #tpu.memory_space<hbm>>, %arg4: memref<10240xi32, #tpu.memory_space<hbm>>, %arg5: memref<10240x128xf32, #tpu.memory_space<hbm>>, %arg6: memref<10240x128xf32, #tpu.memory_space<hbm>>, %arg7: memref<80xi32, #tpu.memory_space<vmem>>, %arg8: memref<80x128xf32, #tpu.memory_space<vmem>>, %arg9: memref<80x128xf32, #tpu.memory_space<vmem>>, %arg10: memref<!tpu.dma_semaphore, #tpu.memory_space<semaphore_mem>>, %arg11: memref<!tpu.dma_semaphore, #tpu.memory_space<semaphore_mem>>) attributes {dimension_semantics = [#tpu.dimension_semantics<core_parallel>, #tpu.dimension_semantics<subcore_parallel>], iteration_bounds = array<i64: 2, 16>, scalar_prefetch = 0 : i64, scratch_operands = 5 : i64, tpu.core_type = #tpu.core_type<sc_vector_subcore>, window_params = [{transform_indices = #map}, {transform_indices = #map}, {transform_indices = #map1}, {transform_indices = #map}, {transform_indices = #map}]} {
    %mul3A = arith.constant 2 : i32
    %mul3A_0 = arith.muli %arg1, %mul3A : i32
    %add3A = arith.addi %mul3A_0, %arg0 : i32
    %mul3A_1 = arith.constant 320 : i32
    %mul3A_2 = arith.muli %add3A, %mul3A_1 : i32
    %scan3A = arith.constant 0 : i32
    %scan3A_3 = arith.constant 0 : i32
    %scan3A_4 = arith.constant 4 : i32
    %scan3A_5 = arith.addi %scan3A_3, %scan3A_4 : i32
    %scan3A_6 = arith.constant 1 : i32
    %scan3A_7 = scf.for %scan3A_9 = %scan3A_3 to %scan3A_5 step %scan3A_6 iter_args(%scan3A_10 = %scan3A) -> (i32)  : i32 {
      %mul3A_11 = arith.constant 80 : i32
      %mul3A_12 = arith.muli %scan3A_9, %mul3A_11 : i32
      %add3A_13 = arith.addi %mul3A_2, %mul3A_12 : i32
      "tpu.region"() ({
        %run_scoped3A = tpu.sem_alloc : memref<!tpu.dma_semaphore, #tpu.memory_space<semaphore_mem>>
        %dma_start3A_25 = tpu.memref_slice %arg4[%add3A_13] : memref<10240xi32, #tpu.memory_space<hbm>> -> memref<80xi32, #tpu.memory_space<hbm>>
        %dma_start3A_26 = tpu.memref_slice %arg4[%add3A_13] : memref<10240xi32, #tpu.memory_space<hbm>> -> memref<80xi32, #tpu.memory_space<hbm>>
        tpu.enqueue_dma source(%dma_start3A_26 : memref<80xi32, #tpu.memory_space<hbm>>) target(%arg7 : memref<80xi32, #tpu.memory_space<vmem>>) target_semaphore(%run_scoped3A : memref<!tpu.dma_semaphore, #tpu.memory_space<semaphore_mem>>)
        %dma_wait3A_27 = tpu.memref_slice %arg4[%add3A_13] : memref<10240xi32, #tpu.memory_space<hbm>> -> memref<80xi32, #tpu.memory_space<hbm>>
        %dma_wait3A_28 = tpu.memref_slice %arg4[%add3A_13] : memref<10240xi32, #tpu.memory_space<hbm>> -> memref<80xi32, #tpu.memory_space<hbm>>
        tpu.wait_dma2 semaphore(%run_scoped3A : memref<!tpu.dma_semaphore, #tpu.memory_space<semaphore_mem>>) src(%dma_wait3A_28 : memref<80xi32, #tpu.memory_space<hbm>>) dst(%arg7 : memref<80xi32, #tpu.memory_space<vmem>>)
        tpu.yield
      }) : () -> ()
      %dma_start3A = arith.constant 0 : i32
      %dma_start3A_14 = arith.constant 0 : i32
      %dma_start3A_15 = tpu.memref_slice %arg2[%dma_start3A, %dma_start3A_14] : memref<10000x128xf32, #tpu.memory_space<hbm>> -> memref<10000x128xf32, #tpu.memory_space<hbm>>
      tpu.enqueue_indirect_dma source(%dma_start3A_15 : memref<10000x128xf32, #tpu.memory_space<hbm>>) target(%arg8 : memref<80x128xf32, #tpu.memory_space<vmem>>) offsets(%arg7 : memref<80xi32, #tpu.memory_space<vmem>>) semaphore(%arg10 : memref<!tpu.dma_semaphore, #tpu.memory_space<semaphore_mem>>)
      %dma_start3A_16 = arith.constant 0 : i32
      %dma_start3A_17 = arith.constant 0 : i32
      %dma_start3A_18 = tpu.memref_slice %arg3[%dma_start3A_16, %dma_start3A_17] : memref<10000x128xf32, #tpu.memory_space<hbm>> -> memref<10000x128xf32, #tpu.memory_space<hbm>>
      tpu.enqueue_indirect_dma source(%dma_start3A_18 : memref<10000x128xf32, #tpu.memory_space<hbm>>) target(%arg9 : memref<80x128xf32, #tpu.memory_space<vmem>>) offsets(%arg7 : memref<80xi32, #tpu.memory_space<vmem>>) semaphore(%arg11 : memref<!tpu.dma_semaphore, #tpu.memory_space<semaphore_mem>>)
      %dma_wait3A = arith.constant 0 : i32
      %dma_wait3A_19 = arith.constant 0 : i32
      %dma_wait3A_20 = tpu.memref_slice %arg2[%dma_wait3A, %dma_wait3A_19] : memref<10000x128xf32, #tpu.memory_space<hbm>> -> memref<10000x128xf32, #tpu.memory_space<hbm>>
      tpu.wait_indirect_dma semaphore(%arg10 : memref<!tpu.dma_semaphore, #tpu.memory_space<semaphore_mem>>) src(%dma_wait3A_20 : memref<10000x128xf32, #tpu.memory_space<hbm>>) dst(%arg8 : memref<80x128xf32, #tpu.memory_space<vmem>>)
      %dma_wait3A_21 = arith.constant 0 : i32
      %dma_wait3A_22 = arith.constant 0 : i32
      %dma_wait3A_23 = tpu.memref_slice %arg3[%dma_wait3A_21, %dma_wait3A_22] : memref<10000x128xf32, #tpu.memory_space<hbm>> -> memref<10000x128xf32, #tpu.memory_space<hbm>>
      tpu.wait_indirect_dma semaphore(%arg11 : memref<!tpu.dma_semaphore, #tpu.memory_space<semaphore_mem>>) src(%dma_wait3A_23 : memref<10000x128xf32, #tpu.memory_space<hbm>>) dst(%arg9 : memref<80x128xf32, #tpu.memory_space<vmem>>)
      "tpu.region"() ({
        %run_scoped3A = tpu.sem_alloc : memref<!tpu.dma_semaphore, #tpu.memory_space<semaphore_mem>>
        %dma_start3A_25 = arith.constant 0 : i32
        %dma_start3A_26 = tpu.memref_slice %arg5[%add3A_13, %dma_start3A_25] : memref<10240x128xf32, #tpu.memory_space<hbm>> -> memref<80x128xf32, #tpu.memory_space<hbm>>
        %dma_start3A_27 = arith.constant 0 : i32
        %dma_start3A_28 = tpu.memref_slice %arg5[%add3A_13, %dma_start3A_27] : memref<10240x128xf32, #tpu.memory_space<hbm>> -> memref<80x128xf32, #tpu.memory_space<hbm>>
        tpu.enqueue_dma source(%arg8 : memref<80x128xf32, #tpu.memory_space<vmem>>) target(%dma_start3A_28 : memref<80x128xf32, #tpu.memory_space<hbm>>) target_semaphore(%run_scoped3A : memref<!tpu.dma_semaphore, #tpu.memory_space<semaphore_mem>>)
        %dma_wait3A_29 = arith.constant 0 : i32
        %dma_wait3A_30 = tpu.memref_slice %arg5[%add3A_13, %dma_wait3A_29] : memref<10240x128xf32, #tpu.memory_space<hbm>> -> memref<80x128xf32, #tpu.memory_space<hbm>>
        %dma_wait3A_31 = arith.constant 0 : i32
        %dma_wait3A_32 = tpu.memref_slice %arg5[%add3A_13, %dma_wait3A_31] : memref<10240x128xf32, #tpu.memory_space<hbm>> -> memref<80x128xf32, #tpu.memory_space<hbm>>
        tpu.wait_dma2 semaphore(%run_scoped3A : memref<!tpu.dma_semaphore, #tpu.memory_space<semaphore_mem>>) src(%arg8 : memref<80x128xf32, #tpu.memory_space<vmem>>) dst(%dma_wait3A_32 : memref<80x128xf32, #tpu.memory_space<hbm>>)
        tpu.yield
      }) : () -> ()
      "tpu.region"() ({
        %run_scoped3A = tpu.sem_alloc : memref<!tpu.dma_semaphore, #tpu.memory_space<semaphore_mem>>
        %dma_start3A_25 = arith.constant 0 : i32
        %dma_start3A_26 = tpu.memref_slice %arg6[%add3A_13, %dma_start3A_25] : memref<10240x128xf32, #tpu.memory_space<hbm>> -> memref<80x128xf32, #tpu.memory_space<hbm>>
        %dma_start3A_27 = arith.constant 0 : i32
        %dma_start3A_28 = tpu.memref_slice %arg6[%add3A_13, %dma_start3A_27] : memref<10240x128xf32, #tpu.memory_space<hbm>> -> memref<80x128xf32, #tpu.memory_space<hbm>>
        tpu.enqueue_dma source(%arg9 : memref<80x128xf32, #tpu.memory_space<vmem>>) target(%dma_start3A_28 : memref<80x128xf32, #tpu.memory_space<hbm>>) target_semaphore(%run_scoped3A : memref<!tpu.dma_semaphore, #tpu.memory_space<semaphore_mem>>)
        %dma_wait3A_29 = arith.constant 0 : i32
        %dma_wait3A_30 = tpu.memref_slice %arg6[%add3A_13, %dma_wait3A_29] : memref<10240x128xf32, #tpu.memory_space<hbm>> -> memref<80x128xf32, #tpu.memory_space<hbm>>
        %dma_wait3A_31 = arith.constant 0 : i32
        %dma_wait3A_32 = tpu.memref_slice %arg6[%add3A_13, %dma_wait3A_31] : memref<10240x128xf32, #tpu.memory_space<hbm>> -> memref<80x128xf32, #tpu.memory_space<hbm>>
        tpu.wait_dma2 semaphore(%run_scoped3A : memref<!tpu.dma_semaphore, #tpu.memory_space<semaphore_mem>>) src(%arg9 : memref<80x128xf32, #tpu.memory_space<vmem>>) dst(%dma_wait3A_32 : memref<80x128xf32, #tpu.memory_space<hbm>>)
        tpu.yield
      }) : () -> ()
      %scan3A_24 = arith.constant 0 : i32
      scf.yield %scan3A_24 : i32
    }
    %scan3A_8 = arith.constant 4 : i32
    return
  }
}

#map = affine_map<(d0, d1) -> (0, 0)>
#map1 = affine_map<(d0, d1) -> (0, 0, 0)>
module attributes {stable_mosaic.version = 14 : i64} {
  func.func @_mp_body(%arg0: i32, %arg1: i32, %arg2: memref<160000x128xf32, #tpu.memory_space<hbm>>, %arg3: memref<32x40x128xi32, #tpu.memory_space<hbm>>, %arg4: memref<32x40x128xi32, #tpu.memory_space<hbm>>, %arg5: memref<10240x128xf32, #tpu.memory_space<hbm>>, %arg6: memref<2x10240x128xf32, #tpu.memory_space<hbm>>, %arg7: memref<10240x128xf32, #tpu.memory_space<vmem_shared>>, %arg8: memref<40x128xi32, #tpu.memory_space<vmem>>, %arg9: memref<40x128xi32, #tpu.memory_space<vmem>>, %arg10: memref<128x128xf32, #tpu.memory_space<vmem>>, %arg11: memref<!tpu.dma_semaphore, #tpu.memory_space<semaphore_mem>>) attributes {dimension_semantics = [#tpu.dimension_semantics<core_parallel>, #tpu.dimension_semantics<subcore_parallel>], iteration_bounds = array<i64: 2, 16>, scalar_prefetch = 0 : i64, scratch_operands = 5 : i64, tpu.core_type = #tpu.core_type<sc_vector_subcore>, window_params = [{transform_indices = #map}, {transform_indices = #map1}, {transform_indices = #map1}, {transform_indices = #map}, {transform_indices = #map1}]} {
    %mul3A = arith.constant 16 : i32
    %mul3A_0 = arith.muli %arg0, %mul3A : i32
    %add3A = arith.addi %mul3A_0, %arg1 : i32
    "tpu.region"() ({
      %run_scoped3A = tpu.sem_alloc : memref<!tpu.dma_semaphore, #tpu.memory_space<semaphore_mem>>
      %dma_start3A = arith.constant 0 : i32
      %dma_start3A_16 = arith.constant 0 : i32
      %dma_start3A_17 = tpu.memref_slice %arg3[%add3A, %dma_start3A, %dma_start3A_16] : memref<32x40x128xi32, #tpu.memory_space<hbm>> -> memref<1x40x128xi32, #tpu.memory_space<hbm>>
      %dma_start3A_18 = tpu.memref_squeeze %dma_start3A_17 : memref<1x40x128xi32, #tpu.memory_space<hbm>> -> memref<40x128xi32, #tpu.memory_space<hbm>>
      %dma_start3A_19 = arith.constant 0 : i32
      %dma_start3A_20 = arith.constant 0 : i32
      %dma_start3A_21 = tpu.memref_slice %arg3[%add3A, %dma_start3A_19, %dma_start3A_20] : memref<32x40x128xi32, #tpu.memory_space<hbm>> -> memref<1x40x128xi32, #tpu.memory_space<hbm>>
      %dma_start3A_22 = tpu.memref_squeeze %dma_start3A_21 : memref<1x40x128xi32, #tpu.memory_space<hbm>> -> memref<40x128xi32, #tpu.memory_space<hbm>>
      tpu.enqueue_dma source(%dma_start3A_22 : memref<40x128xi32, #tpu.memory_space<hbm>>) target(%arg8 : memref<40x128xi32, #tpu.memory_space<vmem>>) target_semaphore(%run_scoped3A : memref<!tpu.dma_semaphore, #tpu.memory_space<semaphore_mem>>)
      %dma_wait3A = arith.constant 0 : i32
      %dma_wait3A_23 = arith.constant 0 : i32
      %dma_wait3A_24 = tpu.memref_slice %arg3[%add3A, %dma_wait3A, %dma_wait3A_23] : memref<32x40x128xi32, #tpu.memory_space<hbm>> -> memref<1x40x128xi32, #tpu.memory_space<hbm>>
      %dma_wait3A_25 = tpu.memref_squeeze %dma_wait3A_24 : memref<1x40x128xi32, #tpu.memory_space<hbm>> -> memref<40x128xi32, #tpu.memory_space<hbm>>
      %dma_wait3A_26 = arith.constant 0 : i32
      %dma_wait3A_27 = arith.constant 0 : i32
      %dma_wait3A_28 = tpu.memref_slice %arg3[%add3A, %dma_wait3A_26, %dma_wait3A_27] : memref<32x40x128xi32, #tpu.memory_space<hbm>> -> memref<1x40x128xi32, #tpu.memory_space<hbm>>
      %dma_wait3A_29 = tpu.memref_squeeze %dma_wait3A_28 : memref<1x40x128xi32, #tpu.memory_space<hbm>> -> memref<40x128xi32, #tpu.memory_space<hbm>>
      tpu.wait_dma2 semaphore(%run_scoped3A : memref<!tpu.dma_semaphore, #tpu.memory_space<semaphore_mem>>) src(%dma_wait3A_29 : memref<40x128xi32, #tpu.memory_space<hbm>>) dst(%arg8 : memref<40x128xi32, #tpu.memory_space<vmem>>)
      tpu.yield
    }) : () -> ()
    "tpu.region"() ({
      %run_scoped3A = tpu.sem_alloc : memref<!tpu.dma_semaphore, #tpu.memory_space<semaphore_mem>>
      %dma_start3A = arith.constant 0 : i32
      %dma_start3A_16 = arith.constant 0 : i32
      %dma_start3A_17 = tpu.memref_slice %arg4[%add3A, %dma_start3A, %dma_start3A_16] : memref<32x40x128xi32, #tpu.memory_space<hbm>> -> memref<1x40x128xi32, #tpu.memory_space<hbm>>
      %dma_start3A_18 = tpu.memref_squeeze %dma_start3A_17 : memref<1x40x128xi32, #tpu.memory_space<hbm>> -> memref<40x128xi32, #tpu.memory_space<hbm>>
      %dma_start3A_19 = arith.constant 0 : i32
      %dma_start3A_20 = arith.constant 0 : i32
      %dma_start3A_21 = tpu.memref_slice %arg4[%add3A, %dma_start3A_19, %dma_start3A_20] : memref<32x40x128xi32, #tpu.memory_space<hbm>> -> memref<1x40x128xi32, #tpu.memory_space<hbm>>
      %dma_start3A_22 = tpu.memref_squeeze %dma_start3A_21 : memref<1x40x128xi32, #tpu.memory_space<hbm>> -> memref<40x128xi32, #tpu.memory_space<hbm>>
      tpu.enqueue_dma source(%dma_start3A_22 : memref<40x128xi32, #tpu.memory_space<hbm>>) target(%arg9 : memref<40x128xi32, #tpu.memory_space<vmem>>) target_semaphore(%run_scoped3A : memref<!tpu.dma_semaphore, #tpu.memory_space<semaphore_mem>>)
      %dma_wait3A = arith.constant 0 : i32
      %dma_wait3A_23 = arith.constant 0 : i32
      %dma_wait3A_24 = tpu.memref_slice %arg4[%add3A, %dma_wait3A, %dma_wait3A_23] : memref<32x40x128xi32, #tpu.memory_space<hbm>> -> memref<1x40x128xi32, #tpu.memory_space<hbm>>
      %dma_wait3A_25 = tpu.memref_squeeze %dma_wait3A_24 : memref<1x40x128xi32, #tpu.memory_space<hbm>> -> memref<40x128xi32, #tpu.memory_space<hbm>>
      %dma_wait3A_26 = arith.constant 0 : i32
      %dma_wait3A_27 = arith.constant 0 : i32
      %dma_wait3A_28 = tpu.memref_slice %arg4[%add3A, %dma_wait3A_26, %dma_wait3A_27] : memref<32x40x128xi32, #tpu.memory_space<hbm>> -> memref<1x40x128xi32, #tpu.memory_space<hbm>>
      %dma_wait3A_29 = tpu.memref_squeeze %dma_wait3A_28 : memref<1x40x128xi32, #tpu.memory_space<hbm>> -> memref<40x128xi32, #tpu.memory_space<hbm>>
      tpu.wait_dma2 semaphore(%run_scoped3A : memref<!tpu.dma_semaphore, #tpu.memory_space<semaphore_mem>>) src(%dma_wait3A_29 : memref<40x128xi32, #tpu.memory_space<hbm>>) dst(%arg9 : memref<40x128xi32, #tpu.memory_space<vmem>>)
      tpu.yield
    }) : () -> ()
    %mul3A_1 = arith.constant 640 : i32
    %mul3A_2 = arith.muli %arg1, %mul3A_1 : i32
    %mul3A_3 = arith.constant 640 : i32
    %mul3A_4 = arith.muli %arg1, %mul3A_3 : i32
    "tpu.region"() ({
      %run_scoped3A = tpu.sem_alloc : memref<!tpu.dma_semaphore, #tpu.memory_space<semaphore_mem>>
      %dma_start3A = arith.constant 0 : i32
      %dma_start3A_16 = tpu.memref_slice %arg7[%mul3A_4, %dma_start3A] : memref<10240x128xf32, #tpu.memory_space<vmem_shared>> -> memref<640x128xf32, #tpu.memory_space<vmem_shared>>
      %dma_start3A_17 = arith.constant 0 : i32
      %dma_start3A_18 = tpu.memref_slice %arg5[%mul3A_2, %dma_start3A_17] : memref<10240x128xf32, #tpu.memory_space<hbm>> -> memref<640x128xf32, #tpu.memory_space<hbm>>
      tpu.enqueue_dma source(%dma_start3A_18 : memref<640x128xf32, #tpu.memory_space<hbm>>) target(%dma_start3A_16 : memref<640x128xf32, #tpu.memory_space<vmem_shared>>) target_semaphore(%run_scoped3A : memref<!tpu.dma_semaphore, #tpu.memory_space<semaphore_mem>>)
      %dma_wait3A = arith.constant 0 : i32
      %dma_wait3A_19 = tpu.memref_slice %arg7[%mul3A_4, %dma_wait3A] : memref<10240x128xf32, #tpu.memory_space<vmem_shared>> -> memref<640x128xf32, #tpu.memory_space<vmem_shared>>
      %dma_wait3A_20 = arith.constant 0 : i32
      %dma_wait3A_21 = tpu.memref_slice %arg5[%mul3A_2, %dma_wait3A_20] : memref<10240x128xf32, #tpu.memory_space<hbm>> -> memref<640x128xf32, #tpu.memory_space<hbm>>
      tpu.wait_dma2 semaphore(%run_scoped3A : memref<!tpu.dma_semaphore, #tpu.memory_space<semaphore_mem>>) src(%dma_wait3A_21 : memref<640x128xf32, #tpu.memory_space<hbm>>) dst(%dma_wait3A_19 : memref<640x128xf32, #tpu.memory_space<vmem_shared>>)
      tpu.yield
    }) : () -> ()
    %barrier3A = arith.constant 0 : index
    tpu.barrier barrier_id(%barrier3A)
    %scan3A = arith.constant 0 : i32
    %scan3A_5 = arith.constant 0 : i32
    %scan3A_6 = arith.constant 40 : i32
    %scan3A_7 = arith.addi %scan3A_5, %scan3A_6 : i32
    %scan3A_8 = arith.constant 1 : i32
    %scan3A_9 = scf.for %scan3A_16 = %scan3A_5 to %scan3A_7 step %scan3A_8 iter_args(%scan3A_17 = %scan3A) -> (i32)  : i32 {
      %dma_start3A = arith.constant 0 : i32
      %dma_start3A_18 = tpu.memref_slice %arg8[%scan3A_16, %dma_start3A] : memref<40x128xi32, #tpu.memory_space<vmem>> -> memref<1x128xi32, #tpu.memory_space<vmem>>
      %dma_start3A_19 = tpu.memref_squeeze %dma_start3A_18 : memref<1x128xi32, #tpu.memory_space<vmem>> -> memref<128xi32, #tpu.memory_space<vmem>>
      %dma_start3A_20 = arith.constant 0 : i32
      %dma_start3A_21 = arith.constant 0 : i32
      %dma_start3A_22 = tpu.memref_slice %arg2[%dma_start3A_20, %dma_start3A_21] : memref<160000x128xf32, #tpu.memory_space<hbm>> -> memref<160000x128xf32, #tpu.memory_space<hbm>>
      tpu.enqueue_indirect_dma source(%dma_start3A_22 : memref<160000x128xf32, #tpu.memory_space<hbm>>) target(%arg10 : memref<128x128xf32, #tpu.memory_space<vmem>>) offsets(%dma_start3A_19 : memref<128xi32, #tpu.memory_space<vmem>>) semaphore(%arg11 : memref<!tpu.dma_semaphore, #tpu.memory_space<semaphore_mem>>)
      %dma_wait3A = arith.constant 0 : i32
      %dma_wait3A_23 = tpu.memref_slice %arg8[%scan3A_16, %dma_wait3A] : memref<40x128xi32, #tpu.memory_space<vmem>> -> memref<1x128xi32, #tpu.memory_space<vmem>>
      %dma_wait3A_24 = tpu.memref_squeeze %dma_wait3A_23 : memref<1x128xi32, #tpu.memory_space<vmem>> -> memref<128xi32, #tpu.memory_space<vmem>>
      %dma_wait3A_25 = arith.constant 0 : i32
      %dma_wait3A_26 = arith.constant 0 : i32
      %dma_wait3A_27 = tpu.memref_slice %arg2[%dma_wait3A_25, %dma_wait3A_26] : memref<160000x128xf32, #tpu.memory_space<hbm>> -> memref<160000x128xf32, #tpu.memory_space<hbm>>
      tpu.wait_indirect_dma semaphore(%arg11 : memref<!tpu.dma_semaphore, #tpu.memory_space<semaphore_mem>>) src(%dma_wait3A_27 : memref<160000x128xf32, #tpu.memory_space<hbm>>) dst(%arg10 : memref<128x128xf32, #tpu.memory_space<vmem>>)
      "tpu.region"() ({
        %run_scoped3A = tpu.sem_alloc : memref<!tpu.dma_semaphore, #tpu.memory_space<semaphore_mem>>
        %dma_start3A_29 = arith.constant 0 : i32
        %dma_start3A_30 = tpu.memref_slice %arg9[%scan3A_16, %dma_start3A_29] : memref<40x128xi32, #tpu.memory_space<vmem>> -> memref<1x128xi32, #tpu.memory_space<vmem>>
        %dma_start3A_31 = tpu.memref_squeeze %dma_start3A_30 : memref<1x128xi32, #tpu.memory_space<vmem>> -> memref<128xi32, #tpu.memory_space<vmem>>
        %dma_start3A_32 = arith.constant 0 : i32
        %dma_start3A_33 = arith.constant 0 : i32
        %dma_start3A_34 = tpu.memref_slice %arg7[%dma_start3A_32, %dma_start3A_33] : memref<10240x128xf32, #tpu.memory_space<vmem_shared>> -> memref<10240x128xf32, #tpu.memory_space<vmem_shared>>
        tpu.enqueue_indirect_dma source(%arg10 : memref<128x128xf32, #tpu.memory_space<vmem>>) target(%dma_start3A_34 : memref<10240x128xf32, #tpu.memory_space<vmem_shared>>) offsets(%dma_start3A_31 : memref<128xi32, #tpu.memory_space<vmem>>) semaphore(%run_scoped3A : memref<!tpu.dma_semaphore, #tpu.memory_space<semaphore_mem>>) {add = true}
        %dma_wait3A_35 = arith.constant 0 : i32
        %dma_wait3A_36 = tpu.memref_slice %arg9[%scan3A_16, %dma_wait3A_35] : memref<40x128xi32, #tpu.memory_space<vmem>> -> memref<1x128xi32, #tpu.memory_space<vmem>>
        %dma_wait3A_37 = tpu.memref_squeeze %dma_wait3A_36 : memref<1x128xi32, #tpu.memory_space<vmem>> -> memref<128xi32, #tpu.memory_space<vmem>>
        %dma_wait3A_38 = arith.constant 0 : i32
        %dma_wait3A_39 = arith.constant 0 : i32
        %dma_wait3A_40 = tpu.memref_slice %arg7[%dma_wait3A_38, %dma_wait3A_39] : memref<10240x128xf32, #tpu.memory_space<vmem_shared>> -> memref<10240x128xf32, #tpu.memory_space<vmem_shared>>
        tpu.wait_indirect_dma semaphore(%run_scoped3A : memref<!tpu.dma_semaphore, #tpu.memory_space<semaphore_mem>>) src(%arg10 : memref<128x128xf32, #tpu.memory_space<vmem>>) dst(%dma_wait3A_40 : memref<10240x128xf32, #tpu.memory_space<vmem_shared>>)
        tpu.yield
      }) : () -> ()
      %scan3A_28 = arith.constant 0 : i32
      scf.yield %scan3A_28 : i32
    }
    %scan3A_10 = arith.constant 40 : i32
    %barrier3A_11 = arith.constant 0 : index
    tpu.barrier barrier_id(%barrier3A_11)
    %mul3A_12 = arith.constant 640 : i32
    %mul3A_13 = arith.muli %arg1, %mul3A_12 : i32
    %mul3A_14 = arith.constant 640 : i32
    %mul3A_15 = arith.muli %arg1, %mul3A_14 : i32
    "tpu.region"() ({
      %run_scoped3A = tpu.sem_alloc : memref<!tpu.dma_semaphore, #tpu.memory_space<semaphore_mem>>
      %dma_start3A = arith.constant 0 : i32
      %dma_start3A_16 = tpu.memref_slice %arg6[%arg0, %mul3A_15, %dma_start3A] : memref<2x10240x128xf32, #tpu.memory_space<hbm>> -> memref<1x640x128xf32, #tpu.memory_space<hbm>>
      %dma_start3A_17 = tpu.memref_squeeze %dma_start3A_16 : memref<1x640x128xf32, #tpu.memory_space<hbm>> -> memref<640x128xf32, #tpu.memory_space<hbm>>
      %dma_start3A_18 = arith.constant 0 : i32
      %dma_start3A_19 = tpu.memref_slice %arg7[%mul3A_13, %dma_start3A_18] : memref<10240x128xf32, #tpu.memory_space<vmem_shared>> -> memref<640x128xf32, #tpu.memory_space<vmem_shared>>
      tpu.enqueue_dma source(%dma_start3A_19 : memref<640x128xf32, #tpu.memory_space<vmem_shared>>) target(%dma_start3A_17 : memref<640x128xf32, #tpu.memory_space<hbm>>) target_semaphore(%run_scoped3A : memref<!tpu.dma_semaphore, #tpu.memory_space<semaphore_mem>>)
      %dma_wait3A = arith.constant 0 : i32
      %dma_wait3A_20 = tpu.memref_slice %arg6[%arg0, %mul3A_15, %dma_wait3A] : memref<2x10240x128xf32, #tpu.memory_space<hbm>> -> memref<1x640x128xf32, #tpu.memory_space<hbm>>
      %dma_wait3A_21 = tpu.memref_squeeze %dma_wait3A_20 : memref<1x640x128xf32, #tpu.memory_space<hbm>> -> memref<640x128xf32, #tpu.memory_space<hbm>>
      %dma_wait3A_22 = arith.constant 0 : i32
      %dma_wait3A_23 = tpu.memref_slice %arg7[%mul3A_13, %dma_wait3A_22] : memref<10240x128xf32, #tpu.memory_space<vmem_shared>> -> memref<640x128xf32, #tpu.memory_space<vmem_shared>>
      tpu.wait_dma2 semaphore(%run_scoped3A : memref<!tpu.dma_semaphore, #tpu.memory_space<semaphore_mem>>) src(%dma_wait3A_23 : memref<640x128xf32, #tpu.memory_space<vmem_shared>>) dst(%dma_wait3A_21 : memref<640x128xf32, #tpu.memory_space<hbm>>)
      tpu.yield
    }) : () -> ()
    return
  }
}

#map = affine_map<(d0, d1) -> (0, 0)>
#map1 = affine_map<(d0, d1) -> (0, 0, 0)>
module attributes {stable_mosaic.version = 14 : i64} {
  func.func @_mp_body(%arg0: i32, %arg1: i32, %arg2: memref<160000x128xf32, #tpu.memory_space<hbm>>, %arg3: memref<32x40x128xi32, #tpu.memory_space<hbm>>, %arg4: memref<32x40x128xi32, #tpu.memory_space<hbm>>, %arg5: memref<10240x128xf32, #tpu.memory_space<hbm>>, %arg6: memref<2x10240x128xf32, #tpu.memory_space<hbm>>, %arg7: memref<10240x128xf32, #tpu.memory_space<vmem_shared>>, %arg8: memref<40x128xi32, #tpu.memory_space<vmem>>, %arg9: memref<40x128xi32, #tpu.memory_space<vmem>>, %arg10: memref<128x128xf32, #tpu.memory_space<vmem>>, %arg11: memref<!tpu.dma_semaphore, #tpu.memory_space<semaphore_mem>>) attributes {dimension_semantics = [#tpu.dimension_semantics<core_parallel>, #tpu.dimension_semantics<subcore_parallel>], iteration_bounds = array<i64: 2, 16>, scalar_prefetch = 0 : i64, scratch_operands = 5 : i64, tpu.core_type = #tpu.core_type<sc_vector_subcore>, window_params = [{transform_indices = #map}, {transform_indices = #map1}, {transform_indices = #map1}, {transform_indices = #map}, {transform_indices = #map1}]} {
    %mul3A = arith.constant 16 : i32
    %mul3A_0 = arith.muli %arg0, %mul3A : i32
    %add3A = arith.addi %mul3A_0, %arg1 : i32
    "tpu.region"() ({
      %run_scoped3A = tpu.sem_alloc : memref<!tpu.dma_semaphore, #tpu.memory_space<semaphore_mem>>
      %dma_start3A = arith.constant 0 : i32
      %dma_start3A_16 = arith.constant 0 : i32
      %dma_start3A_17 = tpu.memref_slice %arg3[%add3A, %dma_start3A, %dma_start3A_16] : memref<32x40x128xi32, #tpu.memory_space<hbm>> -> memref<1x40x128xi32, #tpu.memory_space<hbm>>
      %dma_start3A_18 = tpu.memref_squeeze %dma_start3A_17 : memref<1x40x128xi32, #tpu.memory_space<hbm>> -> memref<40x128xi32, #tpu.memory_space<hbm>>
      %dma_start3A_19 = arith.constant 0 : i32
      %dma_start3A_20 = arith.constant 0 : i32
      %dma_start3A_21 = tpu.memref_slice %arg3[%add3A, %dma_start3A_19, %dma_start3A_20] : memref<32x40x128xi32, #tpu.memory_space<hbm>> -> memref<1x40x128xi32, #tpu.memory_space<hbm>>
      %dma_start3A_22 = tpu.memref_squeeze %dma_start3A_21 : memref<1x40x128xi32, #tpu.memory_space<hbm>> -> memref<40x128xi32, #tpu.memory_space<hbm>>
      tpu.enqueue_dma source(%dma_start3A_22 : memref<40x128xi32, #tpu.memory_space<hbm>>) target(%arg8 : memref<40x128xi32, #tpu.memory_space<vmem>>) target_semaphore(%run_scoped3A : memref<!tpu.dma_semaphore, #tpu.memory_space<semaphore_mem>>)
      %dma_wait3A = arith.constant 0 : i32
      %dma_wait3A_23 = arith.constant 0 : i32
      %dma_wait3A_24 = tpu.memref_slice %arg3[%add3A, %dma_wait3A, %dma_wait3A_23] : memref<32x40x128xi32, #tpu.memory_space<hbm>> -> memref<1x40x128xi32, #tpu.memory_space<hbm>>
      %dma_wait3A_25 = tpu.memref_squeeze %dma_wait3A_24 : memref<1x40x128xi32, #tpu.memory_space<hbm>> -> memref<40x128xi32, #tpu.memory_space<hbm>>
      %dma_wait3A_26 = arith.constant 0 : i32
      %dma_wait3A_27 = arith.constant 0 : i32
      %dma_wait3A_28 = tpu.memref_slice %arg3[%add3A, %dma_wait3A_26, %dma_wait3A_27] : memref<32x40x128xi32, #tpu.memory_space<hbm>> -> memref<1x40x128xi32, #tpu.memory_space<hbm>>
      %dma_wait3A_29 = tpu.memref_squeeze %dma_wait3A_28 : memref<1x40x128xi32, #tpu.memory_space<hbm>> -> memref<40x128xi32, #tpu.memory_space<hbm>>
      tpu.wait_dma2 semaphore(%run_scoped3A : memref<!tpu.dma_semaphore, #tpu.memory_space<semaphore_mem>>) src(%dma_wait3A_29 : memref<40x128xi32, #tpu.memory_space<hbm>>) dst(%arg8 : memref<40x128xi32, #tpu.memory_space<vmem>>)
      tpu.yield
    }) : () -> ()
    "tpu.region"() ({
      %run_scoped3A = tpu.sem_alloc : memref<!tpu.dma_semaphore, #tpu.memory_space<semaphore_mem>>
      %dma_start3A = arith.constant 0 : i32
      %dma_start3A_16 = arith.constant 0 : i32
      %dma_start3A_17 = tpu.memref_slice %arg4[%add3A, %dma_start3A, %dma_start3A_16] : memref<32x40x128xi32, #tpu.memory_space<hbm>> -> memref<1x40x128xi32, #tpu.memory_space<hbm>>
      %dma_start3A_18 = tpu.memref_squeeze %dma_start3A_17 : memref<1x40x128xi32, #tpu.memory_space<hbm>> -> memref<40x128xi32, #tpu.memory_space<hbm>>
      %dma_start3A_19 = arith.constant 0 : i32
      %dma_start3A_20 = arith.constant 0 : i32
      %dma_start3A_21 = tpu.memref_slice %arg4[%add3A, %dma_start3A_19, %dma_start3A_20] : memref<32x40x128xi32, #tpu.memory_space<hbm>> -> memref<1x40x128xi32, #tpu.memory_space<hbm>>
      %dma_start3A_22 = tpu.memref_squeeze %dma_start3A_21 : memref<1x40x128xi32, #tpu.memory_space<hbm>> -> memref<40x128xi32, #tpu.memory_space<hbm>>
      tpu.enqueue_dma source(%dma_start3A_22 : memref<40x128xi32, #tpu.memory_space<hbm>>) target(%arg9 : memref<40x128xi32, #tpu.memory_space<vmem>>) target_semaphore(%run_scoped3A : memref<!tpu.dma_semaphore, #tpu.memory_space<semaphore_mem>>)
      %dma_wait3A = arith.constant 0 : i32
      %dma_wait3A_23 = arith.constant 0 : i32
      %dma_wait3A_24 = tpu.memref_slice %arg4[%add3A, %dma_wait3A, %dma_wait3A_23] : memref<32x40x128xi32, #tpu.memory_space<hbm>> -> memref<1x40x128xi32, #tpu.memory_space<hbm>>
      %dma_wait3A_25 = tpu.memref_squeeze %dma_wait3A_24 : memref<1x40x128xi32, #tpu.memory_space<hbm>> -> memref<40x128xi32, #tpu.memory_space<hbm>>
      %dma_wait3A_26 = arith.constant 0 : i32
      %dma_wait3A_27 = arith.constant 0 : i32
      %dma_wait3A_28 = tpu.memref_slice %arg4[%add3A, %dma_wait3A_26, %dma_wait3A_27] : memref<32x40x128xi32, #tpu.memory_space<hbm>> -> memref<1x40x128xi32, #tpu.memory_space<hbm>>
      %dma_wait3A_29 = tpu.memref_squeeze %dma_wait3A_28 : memref<1x40x128xi32, #tpu.memory_space<hbm>> -> memref<40x128xi32, #tpu.memory_space<hbm>>
      tpu.wait_dma2 semaphore(%run_scoped3A : memref<!tpu.dma_semaphore, #tpu.memory_space<semaphore_mem>>) src(%dma_wait3A_29 : memref<40x128xi32, #tpu.memory_space<hbm>>) dst(%arg9 : memref<40x128xi32, #tpu.memory_space<vmem>>)
      tpu.yield
    }) : () -> ()
    %mul3A_1 = arith.constant 640 : i32
    %mul3A_2 = arith.muli %arg1, %mul3A_1 : i32
    %mul3A_3 = arith.constant 640 : i32
    %mul3A_4 = arith.muli %arg1, %mul3A_3 : i32
    "tpu.region"() ({
      %run_scoped3A = tpu.sem_alloc : memref<!tpu.dma_semaphore, #tpu.memory_space<semaphore_mem>>
      %dma_start3A = arith.constant 0 : i32
      %dma_start3A_16 = tpu.memref_slice %arg7[%mul3A_4, %dma_start3A] : memref<10240x128xf32, #tpu.memory_space<vmem_shared>> -> memref<640x128xf32, #tpu.memory_space<vmem_shared>>
      %dma_start3A_17 = arith.constant 0 : i32
      %dma_start3A_18 = tpu.memref_slice %arg5[%mul3A_2, %dma_start3A_17] : memref<10240x128xf32, #tpu.memory_space<hbm>> -> memref<640x128xf32, #tpu.memory_space<hbm>>
      tpu.enqueue_dma source(%dma_start3A_18 : memref<640x128xf32, #tpu.memory_space<hbm>>) target(%dma_start3A_16 : memref<640x128xf32, #tpu.memory_space<vmem_shared>>) target_semaphore(%run_scoped3A : memref<!tpu.dma_semaphore, #tpu.memory_space<semaphore_mem>>)
      %dma_wait3A = arith.constant 0 : i32
      %dma_wait3A_19 = tpu.memref_slice %arg7[%mul3A_4, %dma_wait3A] : memref<10240x128xf32, #tpu.memory_space<vmem_shared>> -> memref<640x128xf32, #tpu.memory_space<vmem_shared>>
      %dma_wait3A_20 = arith.constant 0 : i32
      %dma_wait3A_21 = tpu.memref_slice %arg5[%mul3A_2, %dma_wait3A_20] : memref<10240x128xf32, #tpu.memory_space<hbm>> -> memref<640x128xf32, #tpu.memory_space<hbm>>
      tpu.wait_dma2 semaphore(%run_scoped3A : memref<!tpu.dma_semaphore, #tpu.memory_space<semaphore_mem>>) src(%dma_wait3A_21 : memref<640x128xf32, #tpu.memory_space<hbm>>) dst(%dma_wait3A_19 : memref<640x128xf32, #tpu.memory_space<vmem_shared>>)
      tpu.yield
    }) : () -> ()
    %barrier3A = arith.constant 0 : index
    tpu.barrier barrier_id(%barrier3A)
    %scan3A = arith.constant 0 : i32
    %scan3A_5 = arith.constant 0 : i32
    %scan3A_6 = arith.constant 40 : i32
    %scan3A_7 = arith.addi %scan3A_5, %scan3A_6 : i32
    %scan3A_8 = arith.constant 1 : i32
    %scan3A_9 = scf.for %scan3A_16 = %scan3A_5 to %scan3A_7 step %scan3A_8 iter_args(%scan3A_17 = %scan3A) -> (i32)  : i32 {
      %dma_start3A = arith.constant 0 : i32
      %dma_start3A_18 = tpu.memref_slice %arg8[%scan3A_16, %dma_start3A] : memref<40x128xi32, #tpu.memory_space<vmem>> -> memref<1x128xi32, #tpu.memory_space<vmem>>
      %dma_start3A_19 = tpu.memref_squeeze %dma_start3A_18 : memref<1x128xi32, #tpu.memory_space<vmem>> -> memref<128xi32, #tpu.memory_space<vmem>>
      %dma_start3A_20 = arith.constant 0 : i32
      %dma_start3A_21 = arith.constant 0 : i32
      %dma_start3A_22 = tpu.memref_slice %arg2[%dma_start3A_20, %dma_start3A_21] : memref<160000x128xf32, #tpu.memory_space<hbm>> -> memref<160000x128xf32, #tpu.memory_space<hbm>>
      tpu.enqueue_indirect_dma source(%dma_start3A_22 : memref<160000x128xf32, #tpu.memory_space<hbm>>) target(%arg10 : memref<128x128xf32, #tpu.memory_space<vmem>>) offsets(%dma_start3A_19 : memref<128xi32, #tpu.memory_space<vmem>>) semaphore(%arg11 : memref<!tpu.dma_semaphore, #tpu.memory_space<semaphore_mem>>)
      %dma_wait3A = arith.constant 0 : i32
      %dma_wait3A_23 = tpu.memref_slice %arg8[%scan3A_16, %dma_wait3A] : memref<40x128xi32, #tpu.memory_space<vmem>> -> memref<1x128xi32, #tpu.memory_space<vmem>>
      %dma_wait3A_24 = tpu.memref_squeeze %dma_wait3A_23 : memref<1x128xi32, #tpu.memory_space<vmem>> -> memref<128xi32, #tpu.memory_space<vmem>>
      %dma_wait3A_25 = arith.constant 0 : i32
      %dma_wait3A_26 = arith.constant 0 : i32
      %dma_wait3A_27 = tpu.memref_slice %arg2[%dma_wait3A_25, %dma_wait3A_26] : memref<160000x128xf32, #tpu.memory_space<hbm>> -> memref<160000x128xf32, #tpu.memory_space<hbm>>
      tpu.wait_indirect_dma semaphore(%arg11 : memref<!tpu.dma_semaphore, #tpu.memory_space<semaphore_mem>>) src(%dma_wait3A_27 : memref<160000x128xf32, #tpu.memory_space<hbm>>) dst(%arg10 : memref<128x128xf32, #tpu.memory_space<vmem>>)
      "tpu.region"() ({
        %run_scoped3A = tpu.sem_alloc : memref<!tpu.dma_semaphore, #tpu.memory_space<semaphore_mem>>
        %dma_start3A_29 = arith.constant 0 : i32
        %dma_start3A_30 = tpu.memref_slice %arg9[%scan3A_16, %dma_start3A_29] : memref<40x128xi32, #tpu.memory_space<vmem>> -> memref<1x128xi32, #tpu.memory_space<vmem>>
        %dma_start3A_31 = tpu.memref_squeeze %dma_start3A_30 : memref<1x128xi32, #tpu.memory_space<vmem>> -> memref<128xi32, #tpu.memory_space<vmem>>
        %dma_start3A_32 = arith.constant 0 : i32
        %dma_start3A_33 = arith.constant 0 : i32
        %dma_start3A_34 = tpu.memref_slice %arg7[%dma_start3A_32, %dma_start3A_33] : memref<10240x128xf32, #tpu.memory_space<vmem_shared>> -> memref<10240x128xf32, #tpu.memory_space<vmem_shared>>
        tpu.enqueue_indirect_dma source(%arg10 : memref<128x128xf32, #tpu.memory_space<vmem>>) target(%dma_start3A_34 : memref<10240x128xf32, #tpu.memory_space<vmem_shared>>) offsets(%dma_start3A_31 : memref<128xi32, #tpu.memory_space<vmem>>) semaphore(%run_scoped3A : memref<!tpu.dma_semaphore, #tpu.memory_space<semaphore_mem>>) {add = true}
        %dma_wait3A_35 = arith.constant 0 : i32
        %dma_wait3A_36 = tpu.memref_slice %arg9[%scan3A_16, %dma_wait3A_35] : memref<40x128xi32, #tpu.memory_space<vmem>> -> memref<1x128xi32, #tpu.memory_space<vmem>>
        %dma_wait3A_37 = tpu.memref_squeeze %dma_wait3A_36 : memref<1x128xi32, #tpu.memory_space<vmem>> -> memref<128xi32, #tpu.memory_space<vmem>>
        %dma_wait3A_38 = arith.constant 0 : i32
        %dma_wait3A_39 = arith.constant 0 : i32
        %dma_wait3A_40 = tpu.memref_slice %arg7[%dma_wait3A_38, %dma_wait3A_39] : memref<10240x128xf32, #tpu.memory_space<vmem_shared>> -> memref<10240x128xf32, #tpu.memory_space<vmem_shared>>
        tpu.wait_indirect_dma semaphore(%run_scoped3A : memref<!tpu.dma_semaphore, #tpu.memory_space<semaphore_mem>>) src(%arg10 : memref<128x128xf32, #tpu.memory_space<vmem>>) dst(%dma_wait3A_40 : memref<10240x128xf32, #tpu.memory_space<vmem_shared>>)
        tpu.yield
      }) : () -> ()
      %scan3A_28 = arith.constant 0 : i32
      scf.yield %scan3A_28 : i32
    }
    %scan3A_10 = arith.constant 40 : i32
    %barrier3A_11 = arith.constant 0 : index
    tpu.barrier barrier_id(%barrier3A_11)
    %mul3A_12 = arith.constant 640 : i32
    %mul3A_13 = arith.muli %arg1, %mul3A_12 : i32
    %mul3A_14 = arith.constant 640 : i32
    %mul3A_15 = arith.muli %arg1, %mul3A_14 : i32
    "tpu.region"() ({
      %run_scoped3A = tpu.sem_alloc : memref<!tpu.dma_semaphore, #tpu.memory_space<semaphore_mem>>
      %dma_start3A = arith.constant 0 : i32
      %dma_start3A_16 = tpu.memref_slice %arg6[%arg0, %mul3A_15, %dma_start3A] : memref<2x10240x128xf32, #tpu.memory_space<hbm>> -> memref<1x640x128xf32, #tpu.memory_space<hbm>>
      %dma_start3A_17 = tpu.memref_squeeze %dma_start3A_16 : memref<1x640x128xf32, #tpu.memory_space<hbm>> -> memref<640x128xf32, #tpu.memory_space<hbm>>
      %dma_start3A_18 = arith.constant 0 : i32
      %dma_start3A_19 = tpu.memref_slice %arg7[%mul3A_13, %dma_start3A_18] : memref<10240x128xf32, #tpu.memory_space<vmem_shared>> -> memref<640x128xf32, #tpu.memory_space<vmem_shared>>
      tpu.enqueue_dma source(%dma_start3A_19 : memref<640x128xf32, #tpu.memory_space<vmem_shared>>) target(%dma_start3A_17 : memref<640x128xf32, #tpu.memory_space<hbm>>) target_semaphore(%run_scoped3A : memref<!tpu.dma_semaphore, #tpu.memory_space<semaphore_mem>>)
      %dma_wait3A = arith.constant 0 : i32
      %dma_wait3A_20 = tpu.memref_slice %arg6[%arg0, %mul3A_15, %dma_wait3A] : memref<2x10240x128xf32, #tpu.memory_space<hbm>> -> memref<1x640x128xf32, #tpu.memory_space<hbm>>
      %dma_wait3A_21 = tpu.memref_squeeze %dma_wait3A_20 : memref<1x640x128xf32, #tpu.memory_space<hbm>> -> memref<640x128xf32, #tpu.memory_space<hbm>>
      %dma_wait3A_22 = arith.constant 0 : i32
      %dma_wait3A_23 = tpu.memref_slice %arg7[%mul3A_13, %dma_wait3A_22] : memref<10240x128xf32, #tpu.memory_space<vmem_shared>> -> memref<640x128xf32, #tpu.memory_space<vmem_shared>>
      tpu.wait_dma2 semaphore(%run_scoped3A : memref<!tpu.dma_semaphore, #tpu.memory_space<semaphore_mem>>) src(%dma_wait3A_23 : memref<640x128xf32, #tpu.memory_space<vmem_shared>>) dst(%dma_wait3A_21 : memref<640x128xf32, #tpu.memory_space<hbm>>)
      tpu.yield
    }) : () -> ()
    return
  }
}

#map = affine_map<(d0, d1) -> (0, 0)>
#map1 = affine_map<(d0, d1) -> (0, 0, 0)>
module attributes {stable_mosaic.version = 14 : i64} {
  func.func @_mp_body(%arg0: i32, %arg1: i32, %arg2: memref<160000x128xf32, #tpu.memory_space<hbm>>, %arg3: memref<32x40x128xi32, #tpu.memory_space<hbm>>, %arg4: memref<32x40x128xi32, #tpu.memory_space<hbm>>, %arg5: memref<10240x128xf32, #tpu.memory_space<hbm>>, %arg6: memref<2x10240x128xf32, #tpu.memory_space<hbm>>, %arg7: memref<10240x128xf32, #tpu.memory_space<vmem_shared>>, %arg8: memref<40x128xi32, #tpu.memory_space<vmem>>, %arg9: memref<40x128xi32, #tpu.memory_space<vmem>>, %arg10: memref<128x128xf32, #tpu.memory_space<vmem>>, %arg11: memref<!tpu.dma_semaphore, #tpu.memory_space<semaphore_mem>>) attributes {dimension_semantics = [#tpu.dimension_semantics<core_parallel>, #tpu.dimension_semantics<subcore_parallel>], iteration_bounds = array<i64: 2, 16>, scalar_prefetch = 0 : i64, scratch_operands = 5 : i64, tpu.core_type = #tpu.core_type<sc_vector_subcore>, window_params = [{transform_indices = #map}, {transform_indices = #map1}, {transform_indices = #map1}, {transform_indices = #map}, {transform_indices = #map1}]} {
    %mul3A = arith.constant 16 : i32
    %mul3A_0 = arith.muli %arg0, %mul3A : i32
    %add3A = arith.addi %mul3A_0, %arg1 : i32
    "tpu.region"() ({
      %run_scoped3A = tpu.sem_alloc : memref<!tpu.dma_semaphore, #tpu.memory_space<semaphore_mem>>
      %dma_start3A = arith.constant 0 : i32
      %dma_start3A_16 = arith.constant 0 : i32
      %dma_start3A_17 = tpu.memref_slice %arg3[%add3A, %dma_start3A, %dma_start3A_16] : memref<32x40x128xi32, #tpu.memory_space<hbm>> -> memref<1x40x128xi32, #tpu.memory_space<hbm>>
      %dma_start3A_18 = tpu.memref_squeeze %dma_start3A_17 : memref<1x40x128xi32, #tpu.memory_space<hbm>> -> memref<40x128xi32, #tpu.memory_space<hbm>>
      %dma_start3A_19 = arith.constant 0 : i32
      %dma_start3A_20 = arith.constant 0 : i32
      %dma_start3A_21 = tpu.memref_slice %arg3[%add3A, %dma_start3A_19, %dma_start3A_20] : memref<32x40x128xi32, #tpu.memory_space<hbm>> -> memref<1x40x128xi32, #tpu.memory_space<hbm>>
      %dma_start3A_22 = tpu.memref_squeeze %dma_start3A_21 : memref<1x40x128xi32, #tpu.memory_space<hbm>> -> memref<40x128xi32, #tpu.memory_space<hbm>>
      tpu.enqueue_dma source(%dma_start3A_22 : memref<40x128xi32, #tpu.memory_space<hbm>>) target(%arg8 : memref<40x128xi32, #tpu.memory_space<vmem>>) target_semaphore(%run_scoped3A : memref<!tpu.dma_semaphore, #tpu.memory_space<semaphore_mem>>)
      %dma_wait3A = arith.constant 0 : i32
      %dma_wait3A_23 = arith.constant 0 : i32
      %dma_wait3A_24 = tpu.memref_slice %arg3[%add3A, %dma_wait3A, %dma_wait3A_23] : memref<32x40x128xi32, #tpu.memory_space<hbm>> -> memref<1x40x128xi32, #tpu.memory_space<hbm>>
      %dma_wait3A_25 = tpu.memref_squeeze %dma_wait3A_24 : memref<1x40x128xi32, #tpu.memory_space<hbm>> -> memref<40x128xi32, #tpu.memory_space<hbm>>
      %dma_wait3A_26 = arith.constant 0 : i32
      %dma_wait3A_27 = arith.constant 0 : i32
      %dma_wait3A_28 = tpu.memref_slice %arg3[%add3A, %dma_wait3A_26, %dma_wait3A_27] : memref<32x40x128xi32, #tpu.memory_space<hbm>> -> memref<1x40x128xi32, #tpu.memory_space<hbm>>
      %dma_wait3A_29 = tpu.memref_squeeze %dma_wait3A_28 : memref<1x40x128xi32, #tpu.memory_space<hbm>> -> memref<40x128xi32, #tpu.memory_space<hbm>>
      tpu.wait_dma2 semaphore(%run_scoped3A : memref<!tpu.dma_semaphore, #tpu.memory_space<semaphore_mem>>) src(%dma_wait3A_29 : memref<40x128xi32, #tpu.memory_space<hbm>>) dst(%arg8 : memref<40x128xi32, #tpu.memory_space<vmem>>)
      tpu.yield
    }) : () -> ()
    "tpu.region"() ({
      %run_scoped3A = tpu.sem_alloc : memref<!tpu.dma_semaphore, #tpu.memory_space<semaphore_mem>>
      %dma_start3A = arith.constant 0 : i32
      %dma_start3A_16 = arith.constant 0 : i32
      %dma_start3A_17 = tpu.memref_slice %arg4[%add3A, %dma_start3A, %dma_start3A_16] : memref<32x40x128xi32, #tpu.memory_space<hbm>> -> memref<1x40x128xi32, #tpu.memory_space<hbm>>
      %dma_start3A_18 = tpu.memref_squeeze %dma_start3A_17 : memref<1x40x128xi32, #tpu.memory_space<hbm>> -> memref<40x128xi32, #tpu.memory_space<hbm>>
      %dma_start3A_19 = arith.constant 0 : i32
      %dma_start3A_20 = arith.constant 0 : i32
      %dma_start3A_21 = tpu.memref_slice %arg4[%add3A, %dma_start3A_19, %dma_start3A_20] : memref<32x40x128xi32, #tpu.memory_space<hbm>> -> memref<1x40x128xi32, #tpu.memory_space<hbm>>
      %dma_start3A_22 = tpu.memref_squeeze %dma_start3A_21 : memref<1x40x128xi32, #tpu.memory_space<hbm>> -> memref<40x128xi32, #tpu.memory_space<hbm>>
      tpu.enqueue_dma source(%dma_start3A_22 : memref<40x128xi32, #tpu.memory_space<hbm>>) target(%arg9 : memref<40x128xi32, #tpu.memory_space<vmem>>) target_semaphore(%run_scoped3A : memref<!tpu.dma_semaphore, #tpu.memory_space<semaphore_mem>>)
      %dma_wait3A = arith.constant 0 : i32
      %dma_wait3A_23 = arith.constant 0 : i32
      %dma_wait3A_24 = tpu.memref_slice %arg4[%add3A, %dma_wait3A, %dma_wait3A_23] : memref<32x40x128xi32, #tpu.memory_space<hbm>> -> memref<1x40x128xi32, #tpu.memory_space<hbm>>
      %dma_wait3A_25 = tpu.memref_squeeze %dma_wait3A_24 : memref<1x40x128xi32, #tpu.memory_space<hbm>> -> memref<40x128xi32, #tpu.memory_space<hbm>>
      %dma_wait3A_26 = arith.constant 0 : i32
      %dma_wait3A_27 = arith.constant 0 : i32
      %dma_wait3A_28 = tpu.memref_slice %arg4[%add3A, %dma_wait3A_26, %dma_wait3A_27] : memref<32x40x128xi32, #tpu.memory_space<hbm>> -> memref<1x40x128xi32, #tpu.memory_space<hbm>>
      %dma_wait3A_29 = tpu.memref_squeeze %dma_wait3A_28 : memref<1x40x128xi32, #tpu.memory_space<hbm>> -> memref<40x128xi32, #tpu.memory_space<hbm>>
      tpu.wait_dma2 semaphore(%run_scoped3A : memref<!tpu.dma_semaphore, #tpu.memory_space<semaphore_mem>>) src(%dma_wait3A_29 : memref<40x128xi32, #tpu.memory_space<hbm>>) dst(%arg9 : memref<40x128xi32, #tpu.memory_space<vmem>>)
      tpu.yield
    }) : () -> ()
    %mul3A_1 = arith.constant 640 : i32
    %mul3A_2 = arith.muli %arg1, %mul3A_1 : i32
    %mul3A_3 = arith.constant 640 : i32
    %mul3A_4 = arith.muli %arg1, %mul3A_3 : i32
    "tpu.region"() ({
      %run_scoped3A = tpu.sem_alloc : memref<!tpu.dma_semaphore, #tpu.memory_space<semaphore_mem>>
      %dma_start3A = arith.constant 0 : i32
      %dma_start3A_16 = tpu.memref_slice %arg7[%mul3A_4, %dma_start3A] : memref<10240x128xf32, #tpu.memory_space<vmem_shared>> -> memref<640x128xf32, #tpu.memory_space<vmem_shared>>
      %dma_start3A_17 = arith.constant 0 : i32
      %dma_start3A_18 = tpu.memref_slice %arg5[%mul3A_2, %dma_start3A_17] : memref<10240x128xf32, #tpu.memory_space<hbm>> -> memref<640x128xf32, #tpu.memory_space<hbm>>
      tpu.enqueue_dma source(%dma_start3A_18 : memref<640x128xf32, #tpu.memory_space<hbm>>) target(%dma_start3A_16 : memref<640x128xf32, #tpu.memory_space<vmem_shared>>) target_semaphore(%run_scoped3A : memref<!tpu.dma_semaphore, #tpu.memory_space<semaphore_mem>>)
      %dma_wait3A = arith.constant 0 : i32
      %dma_wait3A_19 = tpu.memref_slice %arg7[%mul3A_4, %dma_wait3A] : memref<10240x128xf32, #tpu.memory_space<vmem_shared>> -> memref<640x128xf32, #tpu.memory_space<vmem_shared>>
      %dma_wait3A_20 = arith.constant 0 : i32
      %dma_wait3A_21 = tpu.memref_slice %arg5[%mul3A_2, %dma_wait3A_20] : memref<10240x128xf32, #tpu.memory_space<hbm>> -> memref<640x128xf32, #tpu.memory_space<hbm>>
      tpu.wait_dma2 semaphore(%run_scoped3A : memref<!tpu.dma_semaphore, #tpu.memory_space<semaphore_mem>>) src(%dma_wait3A_21 : memref<640x128xf32, #tpu.memory_space<hbm>>) dst(%dma_wait3A_19 : memref<640x128xf32, #tpu.memory_space<vmem_shared>>)
      tpu.yield
    }) : () -> ()
    %barrier3A = arith.constant 0 : index
    tpu.barrier barrier_id(%barrier3A)
    %scan3A = arith.constant 0 : i32
    %scan3A_5 = arith.constant 0 : i32
    %scan3A_6 = arith.constant 40 : i32
    %scan3A_7 = arith.addi %scan3A_5, %scan3A_6 : i32
    %scan3A_8 = arith.constant 1 : i32
    %scan3A_9 = scf.for %scan3A_16 = %scan3A_5 to %scan3A_7 step %scan3A_8 iter_args(%scan3A_17 = %scan3A) -> (i32)  : i32 {
      %dma_start3A = arith.constant 0 : i32
      %dma_start3A_18 = tpu.memref_slice %arg8[%scan3A_16, %dma_start3A] : memref<40x128xi32, #tpu.memory_space<vmem>> -> memref<1x128xi32, #tpu.memory_space<vmem>>
      %dma_start3A_19 = tpu.memref_squeeze %dma_start3A_18 : memref<1x128xi32, #tpu.memory_space<vmem>> -> memref<128xi32, #tpu.memory_space<vmem>>
      %dma_start3A_20 = arith.constant 0 : i32
      %dma_start3A_21 = arith.constant 0 : i32
      %dma_start3A_22 = tpu.memref_slice %arg2[%dma_start3A_20, %dma_start3A_21] : memref<160000x128xf32, #tpu.memory_space<hbm>> -> memref<160000x128xf32, #tpu.memory_space<hbm>>
      tpu.enqueue_indirect_dma source(%dma_start3A_22 : memref<160000x128xf32, #tpu.memory_space<hbm>>) target(%arg10 : memref<128x128xf32, #tpu.memory_space<vmem>>) offsets(%dma_start3A_19 : memref<128xi32, #tpu.memory_space<vmem>>) semaphore(%arg11 : memref<!tpu.dma_semaphore, #tpu.memory_space<semaphore_mem>>)
      %dma_wait3A = arith.constant 0 : i32
      %dma_wait3A_23 = tpu.memref_slice %arg8[%scan3A_16, %dma_wait3A] : memref<40x128xi32, #tpu.memory_space<vmem>> -> memref<1x128xi32, #tpu.memory_space<vmem>>
      %dma_wait3A_24 = tpu.memref_squeeze %dma_wait3A_23 : memref<1x128xi32, #tpu.memory_space<vmem>> -> memref<128xi32, #tpu.memory_space<vmem>>
      %dma_wait3A_25 = arith.constant 0 : i32
      %dma_wait3A_26 = arith.constant 0 : i32
      %dma_wait3A_27 = tpu.memref_slice %arg2[%dma_wait3A_25, %dma_wait3A_26] : memref<160000x128xf32, #tpu.memory_space<hbm>> -> memref<160000x128xf32, #tpu.memory_space<hbm>>
      tpu.wait_indirect_dma semaphore(%arg11 : memref<!tpu.dma_semaphore, #tpu.memory_space<semaphore_mem>>) src(%dma_wait3A_27 : memref<160000x128xf32, #tpu.memory_space<hbm>>) dst(%arg10 : memref<128x128xf32, #tpu.memory_space<vmem>>)
      "tpu.region"() ({
        %run_scoped3A = tpu.sem_alloc : memref<!tpu.dma_semaphore, #tpu.memory_space<semaphore_mem>>
        %dma_start3A_29 = arith.constant 0 : i32
        %dma_start3A_30 = tpu.memref_slice %arg9[%scan3A_16, %dma_start3A_29] : memref<40x128xi32, #tpu.memory_space<vmem>> -> memref<1x128xi32, #tpu.memory_space<vmem>>
        %dma_start3A_31 = tpu.memref_squeeze %dma_start3A_30 : memref<1x128xi32, #tpu.memory_space<vmem>> -> memref<128xi32, #tpu.memory_space<vmem>>
        %dma_start3A_32 = arith.constant 0 : i32
        %dma_start3A_33 = arith.constant 0 : i32
        %dma_start3A_34 = tpu.memref_slice %arg7[%dma_start3A_32, %dma_start3A_33] : memref<10240x128xf32, #tpu.memory_space<vmem_shared>> -> memref<10240x128xf32, #tpu.memory_space<vmem_shared>>
        tpu.enqueue_indirect_dma source(%arg10 : memref<128x128xf32, #tpu.memory_space<vmem>>) target(%dma_start3A_34 : memref<10240x128xf32, #tpu.memory_space<vmem_shared>>) offsets(%dma_start3A_31 : memref<128xi32, #tpu.memory_space<vmem>>) semaphore(%run_scoped3A : memref<!tpu.dma_semaphore, #tpu.memory_space<semaphore_mem>>) {add = true}
        %dma_wait3A_35 = arith.constant 0 : i32
        %dma_wait3A_36 = tpu.memref_slice %arg9[%scan3A_16, %dma_wait3A_35] : memref<40x128xi32, #tpu.memory_space<vmem>> -> memref<1x128xi32, #tpu.memory_space<vmem>>
        %dma_wait3A_37 = tpu.memref_squeeze %dma_wait3A_36 : memref<1x128xi32, #tpu.memory_space<vmem>> -> memref<128xi32, #tpu.memory_space<vmem>>
        %dma_wait3A_38 = arith.constant 0 : i32
        %dma_wait3A_39 = arith.constant 0 : i32
        %dma_wait3A_40 = tpu.memref_slice %arg7[%dma_wait3A_38, %dma_wait3A_39] : memref<10240x128xf32, #tpu.memory_space<vmem_shared>> -> memref<10240x128xf32, #tpu.memory_space<vmem_shared>>
        tpu.wait_indirect_dma semaphore(%run_scoped3A : memref<!tpu.dma_semaphore, #tpu.memory_space<semaphore_mem>>) src(%arg10 : memref<128x128xf32, #tpu.memory_space<vmem>>) dst(%dma_wait3A_40 : memref<10240x128xf32, #tpu.memory_space<vmem_shared>>)
        tpu.yield
      }) : () -> ()
      %scan3A_28 = arith.constant 0 : i32
      scf.yield %scan3A_28 : i32
    }
    %scan3A_10 = arith.constant 40 : i32
    %barrier3A_11 = arith.constant 0 : index
    tpu.barrier barrier_id(%barrier3A_11)
    %mul3A_12 = arith.constant 640 : i32
    %mul3A_13 = arith.muli %arg1, %mul3A_12 : i32
    %mul3A_14 = arith.constant 640 : i32
    %mul3A_15 = arith.muli %arg1, %mul3A_14 : i32
    "tpu.region"() ({
      %run_scoped3A = tpu.sem_alloc : memref<!tpu.dma_semaphore, #tpu.memory_space<semaphore_mem>>
      %dma_start3A = arith.constant 0 : i32
      %dma_start3A_16 = tpu.memref_slice %arg6[%arg0, %mul3A_15, %dma_start3A] : memref<2x10240x128xf32, #tpu.memory_space<hbm>> -> memref<1x640x128xf32, #tpu.memory_space<hbm>>
      %dma_start3A_17 = tpu.memref_squeeze %dma_start3A_16 : memref<1x640x128xf32, #tpu.memory_space<hbm>> -> memref<640x128xf32, #tpu.memory_space<hbm>>
      %dma_start3A_18 = arith.constant 0 : i32
      %dma_start3A_19 = tpu.memref_slice %arg7[%mul3A_13, %dma_start3A_18] : memref<10240x128xf32, #tpu.memory_space<vmem_shared>> -> memref<640x128xf32, #tpu.memory_space<vmem_shared>>
      tpu.enqueue_dma source(%dma_start3A_19 : memref<640x128xf32, #tpu.memory_space<vmem_shared>>) target(%dma_start3A_17 : memref<640x128xf32, #tpu.memory_space<hbm>>) target_semaphore(%run_scoped3A : memref<!tpu.dma_semaphore, #tpu.memory_space<semaphore_mem>>)
      %dma_wait3A = arith.constant 0 : i32
      %dma_wait3A_20 = tpu.memref_slice %arg6[%arg0, %mul3A_15, %dma_wait3A] : memref<2x10240x128xf32, #tpu.memory_space<hbm>> -> memref<1x640x128xf32, #tpu.memory_space<hbm>>
      %dma_wait3A_21 = tpu.memref_squeeze %dma_wait3A_20 : memref<1x640x128xf32, #tpu.memory_space<hbm>> -> memref<640x128xf32, #tpu.memory_space<hbm>>
      %dma_wait3A_22 = arith.constant 0 : i32
      %dma_wait3A_23 = tpu.memref_slice %arg7[%mul3A_13, %dma_wait3A_22] : memref<10240x128xf32, #tpu.memory_space<vmem_shared>> -> memref<640x128xf32, #tpu.memory_space<vmem_shared>>
      tpu.wait_dma2 semaphore(%run_scoped3A : memref<!tpu.dma_semaphore, #tpu.memory_space<semaphore_mem>>) src(%dma_wait3A_23 : memref<640x128xf32, #tpu.memory_space<vmem_shared>>) dst(%dma_wait3A_21 : memref<640x128xf32, #tpu.memory_space<hbm>>)
      tpu.yield
    }) : () -> ()
    return
  }
}

module attributes {stable_mosaic.version = 14 : i64} {
  func.func @_pre_body(%arg0: memref<10000x16xf32, #tpu.memory_space<vmem>>, %arg1: memref<10000x1xi32, #tpu.memory_space<vmem>>, %arg2: memref<16x128xf32, #tpu.memory_space<vmem>>, %arg3: memref<1x128xf32, #tpu.memory_space<vmem>>, %arg4: memref<8x128xf32, #tpu.memory_space<vmem>>, %arg5: memref<16x128xf32, #tpu.memory_space<vmem>>, %arg6: memref<128x128xf32, #tpu.memory_space<vmem>>, %arg7: memref<128x128xf32, #tpu.memory_space<vmem>>, %arg8: memref<1x128xf32, #tpu.memory_space<vmem>>, %arg9: memref<10000x128xf32, #tpu.memory_space<vmem>>, %arg10: memref<10000x128xf32, #tpu.memory_space<vmem>>, %arg11: memref<16x128xf32, #tpu.memory_space<vmem>>) attributes {dimension_semantics = [], scalar_prefetch = 0 : i64, scratch_operands = 0 : i64, tpu.core_type = #tpu.core_type<tc>} {
    %get3A = arith.constant 0 : index
    %get3A_0 = arith.constant 0 : index
    %get3A_1 = vector.load %arg0[%get3A, %get3A_0] : memref<10000x16xf32, #tpu.memory_space<vmem>>, vector<10000x16xf32>
    %get3A_2 = arith.constant 0 : index
    %get3A_3 = arith.constant 0 : index
    %get3A_4 = vector.load %arg2[%get3A_2, %get3A_3] : memref<16x128xf32, #tpu.memory_space<vmem>>, vector<16x128xf32>
    %dot_general3A = arith.constant dense<0.000000e+00> : vector<10000x128xf32>
    %dot_general3A_5 = tpu.matmul %get3A_1, %get3A_4, %dot_general3A {dimension_numbers = #tpu.dot_dimension_numbers<[1], [0], [0], [1], [0, 0, 1, 1], [], []>, transpose_lhs_hint = false} : vector<10000x16xf32>, vector<16x128xf32>, vector<10000x128xf32> -> vector<10000x128xf32>
    %get3A_6 = arith.constant 0 : index
    %get3A_7 = arith.constant 0 : index
    %get3A_8 = vector.load %arg3[%get3A_6, %get3A_7] : memref<1x128xf32, #tpu.memory_space<vmem>>, vector<1x128xf32>
    %add3A = vector.broadcast %get3A_8 : vector<1x128xf32> to vector<10000x128xf32>
    %add3A_9 = arith.addf %dot_general3A_5, %add3A : vector<10000x128xf32>
    %tanh3A = math.tanh %add3A_9 : vector<10000x128xf32>
    %get3A_10 = arith.constant 0 : index
    %get3A_11 = arith.constant 0 : index
    %get3A_12 = vector.load %arg1[%get3A_10, %get3A_11] : memref<10000x1xi32, #tpu.memory_space<vmem>>, vector<10000x1xi32>
    %iota3A = tpu.iota {dimensions = array<i32: 1>} : vector<10000x8xi32>
    %eq3A = vector.broadcast %get3A_12 : vector<10000x1xi32> to vector<10000x8xi32>
    %eq3A_13 = arith.cmpi eq, %eq3A, %iota3A : vector<10000x8xi32>
    %convert_element_type3A = arith.extui %eq3A_13 : vector<10000x8xi1> to vector<10000x8xi32>
    %convert_element_type3A_14 = arith.sitofp %convert_element_type3A : vector<10000x8xi32> to vector<10000x8xf32>
    %get3A_15 = arith.constant 0 : index
    %get3A_16 = arith.constant 0 : index
    %get3A_17 = vector.load %arg4[%get3A_15, %get3A_16] : memref<8x128xf32, #tpu.memory_space<vmem>>, vector<8x128xf32>
    %dot_general3A_18 = arith.constant dense<0.000000e+00> : vector<10000x128xf32>
    %dot_general3A_19 = tpu.matmul %convert_element_type3A_14, %get3A_17, %dot_general3A_18 {dimension_numbers = #tpu.dot_dimension_numbers<[1], [0], [0], [1], [0, 0, 1, 1], [], []>, precision = #tpu.contract_precision<fp32>, transpose_lhs_hint = false} : vector<10000x8xf32>, vector<8x128xf32>, vector<10000x128xf32> -> vector<10000x128xf32>
    %add3A_20 = arith.addf %tanh3A, %dot_general3A_19 : vector<10000x128xf32>
    %swap3A = arith.constant 0 : index
    %swap3A_21 = arith.constant 0 : index
    %swap3A_22 = vector.load %arg9[%swap3A, %swap3A_21] : memref<10000x128xf32, #tpu.memory_space<vmem>>, vector<10000x128xf32>
    tpu.vector_store %arg9[%swap3A, %swap3A_21], %add3A_20 {strides = array<i32>} : memref<10000x128xf32, #tpu.memory_space<vmem>>, vector<10000x128xf32>,
    %get3A_23 = arith.constant 0 : index
    %get3A_24 = arith.constant 0 : index
    %get3A_25 = vector.load %arg6[%get3A_23, %get3A_24] : memref<128x128xf32, #tpu.memory_space<vmem>>, vector<128x128xf32>
    %dot_general3A_26 = arith.constant dense<0.000000e+00> : vector<10000x128xf32>
    %dot_general3A_27 = tpu.matmul %add3A_20, %get3A_25, %dot_general3A_26 {dimension_numbers = #tpu.dot_dimension_numbers<[1], [0], [0], [1], [0, 0, 1, 1], [], []>, transpose_lhs_hint = false} : vector<10000x128xf32>, vector<128x128xf32>, vector<10000x128xf32> -> vector<10000x128xf32>
    %swap3A_28 = arith.constant 0 : index
    %swap3A_29 = arith.constant 0 : index
    %swap3A_30 = vector.load %arg10[%swap3A_28, %swap3A_29] : memref<10000x128xf32, #tpu.memory_space<vmem>>, vector<10000x128xf32>
    tpu.vector_store %arg10[%swap3A_28, %swap3A_29], %dot_general3A_27 {strides = array<i32>} : memref<10000x128xf32, #tpu.memory_space<vmem>>, vector<10000x128xf32>,
    %get3A_31 = arith.constant 0 : index
    %get3A_32 = arith.constant 0 : index
    %get3A_33 = vector.load %arg5[%get3A_31, %get3A_32] : memref<16x128xf32, #tpu.memory_space<vmem>>, vector<16x128xf32>
    %get3A_34 = arith.constant 0 : index
    %get3A_35 = arith.constant 0 : index
    %get3A_36 = vector.load %arg7[%get3A_34, %get3A_35] : memref<128x128xf32, #tpu.memory_space<vmem>>, vector<128x128xf32>
    %dot_general3A_37 = arith.constant dense<0.000000e+00> : vector<16x128xf32>
    %dot_general3A_38 = tpu.matmul %get3A_33, %get3A_36, %dot_general3A_37 {dimension_numbers = #tpu.dot_dimension_numbers<[1], [0], [0], [1], [0, 0, 1, 1], [], []>, transpose_lhs_hint = false} : vector<16x128xf32>, vector<128x128xf32>, vector<16x128xf32> -> vector<16x128xf32>
    %get3A_39 = arith.constant 0 : index
    %get3A_40 = arith.constant 0 : index
    %get3A_41 = vector.load %arg8[%get3A_39, %get3A_40] : memref<1x128xf32, #tpu.memory_space<vmem>>, vector<1x128xf32>
    %add3A_42 = vector.broadcast %get3A_41 : vector<1x128xf32> to vector<16x128xf32>
    %add3A_43 = arith.addf %dot_general3A_38, %add3A_42 : vector<16x128xf32>
    %swap3A_44 = arith.constant 0 : index
    %swap3A_45 = arith.constant 0 : index
    %swap3A_46 = vector.load %arg11[%swap3A_44, %swap3A_45] : memref<16x128xf32, #tpu.memory_space<vmem>>, vector<16x128xf32>
    tpu.vector_store %arg11[%swap3A_44, %swap3A_45], %add3A_43 {strides = array<i32>} : memref<16x128xf32, #tpu.memory_space<vmem>>, vector<16x128xf32>,
    return
  }
}

module attributes {stable_mosaic.version = 14 : i64} {
  func.func @_table_body(%arg0: i32, %arg1: memref<1000x128xf32, #tpu.memory_space<vmem>>, %arg2: memref<16x128xf32, #tpu.memory_space<vmem>>, %arg3: memref<16000x128xf32, #tpu.memory_space<vmem>>) attributes {dimension_semantics = [#tpu.dimension_semantics<arbitrary>], iteration_bounds = array<i64: 10>, scalar_prefetch = 0 : i64, scratch_operands = 0 : i64, tpu.core_type = #tpu.core_type<tc>, window_params = [{transform_indices = @transform_0, window_bounds = array<i64: 1000, 128>}, {pipeline_mode = #tpu.pipeline_mode<synchronous>, transform_indices = @transform_1, window_bounds = array<i64: 16, 128>}, {transform_indices = @transform_2, window_bounds = array<i64: 16000, 128>}]} {
    %get3A = arith.constant 0 : index
    %get3A_0 = arith.constant 0 : index
    %get3A_1 = vector.load %arg1[%get3A, %get3A_0] : memref<1000x128xf32, #tpu.memory_space<vmem>>, vector<1000x128xf32>
    %broadcast_in_dim3A = vector.shape_cast %get3A_1 : vector<1000x128xf32> to vector<1000x1x128xf32>
    %get3A_2 = arith.constant 0 : index
    %get3A_3 = arith.constant 0 : index
    %get3A_4 = vector.load %arg2[%get3A_2, %get3A_3] : memref<16x128xf32, #tpu.memory_space<vmem>>, vector<16x128xf32>
    %broadcast_in_dim3A_5 = vector.shape_cast %get3A_4 : vector<16x128xf32> to vector<1x16x128xf32>
    %add3A = vector.broadcast %broadcast_in_dim3A : vector<1000x1x128xf32> to vector<1000x16x128xf32>
    %add3A_6 = vector.broadcast %broadcast_in_dim3A_5 : vector<1x16x128xf32> to vector<1000x16x128xf32>
    %add3A_7 = arith.addf %add3A, %add3A_6 : vector<1000x16x128xf32>
    %tanh3A = math.tanh %add3A_7 : vector<1000x16x128xf32>
    %reshape3A = vector.shape_cast %tanh3A : vector<1000x16x128xf32> to vector<16000x128xf32>
    %swap3A = arith.constant 0 : index
    %swap3A_8 = arith.constant 0 : index
    %swap3A_9 = vector.load %arg3[%swap3A, %swap3A_8] : memref<16000x128xf32, #tpu.memory_space<vmem>>, vector<16000x128xf32>
    tpu.vector_store %arg3[%swap3A, %swap3A_8], %reshape3A {strides = array<i32>} : memref<16000x128xf32, #tpu.memory_space<vmem>>, vector<16000x128xf32>,
    return
  }
  func.func @transform_0(%arg0: i32) -> (i32, i32) {
    %c0_i32 = arith.constant 0 : i32
    %c0_i32_0 = arith.constant 0 : i32
    return %arg0, %c0_i32 : i32, i32
  }
  func.func @transform_1(%arg0: i32) -> (i32, i32) {
    %c0_i32 = arith.constant 0 : i32
    %c0_i32_0 = arith.constant 0 : i32
    %c0_i32_1 = arith.constant 0 : i32
    return %c0_i32, %c0_i32_0 : i32, i32
  }
  func.func @transform_2(%arg0: i32) -> (i32, i32) {
    %c0_i32 = arith.constant 0 : i32
    %c0_i32_0 = arith.constant 0 : i32
    return %arg0, %c0_i32 : i32, i32
  }
}

module attributes {stable_mosaic.version = 14 : i64} {
  func.func @_cellt_body(%arg0: i32, %arg1: memref<1000x128xf32, #tpu.memory_space<vmem>>, %arg2: memref<1000x128xf32, #tpu.memory_space<vmem>>, %arg3: memref<1000x128xf32, #tpu.memory_space<vmem>>, %arg4: memref<128x384xf32, #tpu.memory_space<vmem>>, %arg5: memref<128x384xf32, #tpu.memory_space<vmem>>, %arg6: memref<1x384xf32, #tpu.memory_space<vmem>>, %arg7: memref<1x384xf32, #tpu.memory_space<vmem>>, %arg8: memref<128x128xf32, #tpu.memory_space<vmem>>, %arg9: memref<16x128xf32, #tpu.memory_space<vmem>>, %arg10: memref<1000x128xf32, #tpu.memory_space<vmem>>, %arg11: memref<16000x128xf32, #tpu.memory_space<vmem>>) attributes {dimension_semantics = [#tpu.dimension_semantics<arbitrary>], iteration_bounds = array<i64: 10>, scalar_prefetch = 0 : i64, scratch_operands = 0 : i64, tpu.core_type = #tpu.core_type<tc>, window_params = [{transform_indices = @transform_0, window_bounds = array<i64: 1000, 128>}, {transform_indices = @transform_1, window_bounds = array<i64: 1000, 128>}, {transform_indices = @transform_2, window_bounds = array<i64: 1000, 128>}, {pipeline_mode = #tpu.pipeline_mode<synchronous>, transform_indices = @transform_3, window_bounds = array<i64: 128, 384>}, {pipeline_mode = #tpu.pipeline_mode<synchronous>, transform_indices = @transform_4, window_bounds = array<i64: 128, 384>}, {pipeline_mode = #tpu.pipeline_mode<synchronous>, transform_indices = @transform_5, window_bounds = array<i64: 1, 384>}, {pipeline_mode = #tpu.pipeline_mode<synchronous>, transform_indices = @transform_6, window_bounds = array<i64: 1, 384>}, {pipeline_mode = #tpu.pipeline_mode<synchronous>, transform_indices = @transform_7, window_bounds = array<i64: 128, 128>}, {pipeline_mode = #tpu.pipeline_mode<synchronous>, transform_indices = @transform_8, window_bounds = array<i64: 16, 128>}, {transform_indices = @transform_9, window_bounds = array<i64: 1000, 128>}, {transform_indices = @transform_10, window_bounds = array<i64: 16000, 128>}]} {
    %get3A = arith.constant 0 : index
    %get3A_0 = arith.constant 0 : index
    %get3A_1 = vector.load %arg1[%get3A, %get3A_0] : memref<1000x128xf32, #tpu.memory_space<vmem>>, vector<1000x128xf32>
    %get3A_2 = arith.constant 0 : index
    %get3A_3 = arith.constant 0 : index
    %get3A_4 = vector.load %arg2[%get3A_2, %get3A_3] : memref<1000x128xf32, #tpu.memory_space<vmem>>, vector<1000x128xf32>
    %add3A = arith.addf %get3A_1, %get3A_4 : vector<1000x128xf32>
    %get3A_5 = arith.constant 0 : index
    %get3A_6 = arith.constant 0 : index
    %get3A_7 = vector.load %arg3[%get3A_5, %get3A_6] : memref<1000x128xf32, #tpu.memory_space<vmem>>, vector<1000x128xf32>
    %get3A_8 = arith.constant 0 : index
    %get3A_9 = arith.constant 0 : index
    %get3A_10 = vector.load %arg4[%get3A_8, %get3A_9] : memref<128x384xf32, #tpu.memory_space<vmem>>, vector<128x384xf32>
    %dot_general3A = arith.constant dense<0.000000e+00> : vector<1000x384xf32>
    %dot_general3A_11 = tpu.matmul %add3A, %get3A_10, %dot_general3A {dimension_numbers = #tpu.dot_dimension_numbers<[1], [0], [0], [1], [0, 0, 1, 1], [], []>, transpose_lhs_hint = false} : vector<1000x128xf32>, vector<128x384xf32>, vector<1000x384xf32> -> vector<1000x384xf32>
    %get3A_12 = arith.constant 0 : index
    %get3A_13 = arith.constant 0 : index
    %get3A_14 = vector.load %arg6[%get3A_12, %get3A_13] : memref<1x384xf32, #tpu.memory_space<vmem>>, vector<1x384xf32>
    %add3A_15 = vector.broadcast %get3A_14 : vector<1x384xf32> to vector<1000x384xf32>
    %add3A_16 = arith.addf %dot_general3A_11, %add3A_15 : vector<1000x384xf32>
    %get3A_17 = arith.constant 0 : index
    %get3A_18 = arith.constant 0 : index
    %get3A_19 = vector.load %arg5[%get3A_17, %get3A_18] : memref<128x384xf32, #tpu.memory_space<vmem>>, vector<128x384xf32>
    %dot_general3A_20 = arith.constant dense<0.000000e+00> : vector<1000x384xf32>
    %dot_general3A_21 = tpu.matmul %get3A_7, %get3A_19, %dot_general3A_20 {dimension_numbers = #tpu.dot_dimension_numbers<[1], [0], [0], [1], [0, 0, 1, 1], [], []>, transpose_lhs_hint = false} : vector<1000x128xf32>, vector<128x384xf32>, vector<1000x384xf32> -> vector<1000x384xf32>
    %get3A_22 = arith.constant 0 : index
    %get3A_23 = arith.constant 0 : index
    %get3A_24 = vector.load %arg7[%get3A_22, %get3A_23] : memref<1x384xf32, #tpu.memory_space<vmem>>, vector<1x384xf32>
    %add3A_25 = vector.broadcast %get3A_24 : vector<1x384xf32> to vector<1000x384xf32>
    %add3A_26 = arith.addf %dot_general3A_21, %add3A_25 : vector<1000x384xf32>
    %slice3A = vector.extract_strided_slice %add3A_16 {offsets = [0, 0], sizes = [1000, 128], strides = [1, 1]} : vector<1000x384xf32> to vector<1000x128xf32>
    %slice3A_27 = vector.extract_strided_slice %add3A_26 {offsets = [0, 0], sizes = [1000, 128], strides = [1, 1]} : vector<1000x384xf32> to vector<1000x128xf32>
    %add3A_28 = arith.addf %slice3A, %slice3A_27 : vector<1000x128xf32>
    %logistic3A = arith.negf %add3A_28 : vector<1000x128xf32>
    %logistic3A_29 = math.exp %logistic3A : vector<1000x128xf32>
    %logistic3A_30 = arith.constant 1.000000e+00 : f32
    %logistic3A_31 = vector.broadcast %logistic3A_30 : f32 to vector<1000x128xf32>
    %logistic3A_32 = arith.addf %logistic3A_31, %logistic3A_29 : vector<1000x128xf32>
    %logistic3A_33 = arith.divf %logistic3A_31, %logistic3A_32 : vector<1000x128xf32>
    %slice3A_34 = vector.extract_strided_slice %add3A_16 {offsets = [0, 128], sizes = [1000, 128], strides = [1, 1]} : vector<1000x384xf32> to vector<1000x128xf32>
    %slice3A_35 = vector.extract_strided_slice %add3A_26 {offsets = [0, 128], sizes = [1000, 128], strides = [1, 1]} : vector<1000x384xf32> to vector<1000x128xf32>
    %add3A_36 = arith.addf %slice3A_34, %slice3A_35 : vector<1000x128xf32>
    %logistic3A_37 = arith.negf %add3A_36 : vector<1000x128xf32>
    %logistic3A_38 = math.exp %logistic3A_37 : vector<1000x128xf32>
    %logistic3A_39 = arith.constant 1.000000e+00 : f32
    %logistic3A_40 = vector.broadcast %logistic3A_39 : f32 to vector<1000x128xf32>
    %logistic3A_41 = arith.addf %logistic3A_40, %logistic3A_38 : vector<1000x128xf32>
    %logistic3A_42 = arith.divf %logistic3A_40, %logistic3A_41 : vector<1000x128xf32>
    %slice3A_43 = vector.extract_strided_slice %add3A_16 {offsets = [0, 256], sizes = [1000, 128], strides = [1, 1]} : vector<1000x384xf32> to vector<1000x128xf32>
    %slice3A_44 = vector.extract_strided_slice %add3A_26 {offsets = [0, 256], sizes = [1000, 128], strides = [1, 1]} : vector<1000x384xf32> to vector<1000x128xf32>
    %mul3A = arith.mulf %logistic3A_33, %slice3A_44 : vector<1000x128xf32>
    %add3A_45 = arith.addf %slice3A_43, %mul3A : vector<1000x128xf32>
    %tanh3A = math.tanh %add3A_45 : vector<1000x128xf32>
    %sub3A = arith.constant 1.000000e+00 : f32
    %sub3A_46 = vector.broadcast %sub3A : f32 to vector<1000x128xf32>
    %sub3A_47 = arith.subf %sub3A_46, %logistic3A_42 : vector<1000x128xf32>
    %mul3A_48 = arith.mulf %sub3A_47, %tanh3A : vector<1000x128xf32>
    %mul3A_49 = arith.mulf %logistic3A_42, %get3A_7 : vector<1000x128xf32>
    %add3A_50 = arith.addf %mul3A_48, %mul3A_49 : vector<1000x128xf32>
    %swap3A = arith.constant 0 : index
    %swap3A_51 = arith.constant 0 : index
    %swap3A_52 = vector.load %arg10[%swap3A, %swap3A_51] : memref<1000x128xf32, #tpu.memory_space<vmem>>, vector<1000x128xf32>
    tpu.vector_store %arg10[%swap3A, %swap3A_51], %add3A_50 {strides = array<i32>} : memref<1000x128xf32, #tpu.memory_space<vmem>>, vector<1000x128xf32>,
    %get3A_53 = arith.constant 0 : index
    %get3A_54 = arith.constant 0 : index
    %get3A_55 = vector.load %arg8[%get3A_53, %get3A_54] : memref<128x128xf32, #tpu.memory_space<vmem>>, vector<128x128xf32>
    %dot_general3A_56 = arith.constant dense<0.000000e+00> : vector<1000x128xf32>
    %dot_general3A_57 = tpu.matmul %add3A_50, %get3A_55, %dot_general3A_56 {dimension_numbers = #tpu.dot_dimension_numbers<[1], [0], [0], [1], [0, 0, 1, 1], [], []>, transpose_lhs_hint = false} : vector<1000x128xf32>, vector<128x128xf32>, vector<1000x128xf32> -> vector<1000x128xf32>
    %broadcast_in_dim3A = vector.shape_cast %dot_general3A_57 : vector<1000x128xf32> to vector<1000x1x128xf32>
    %get3A_58 = arith.constant 0 : index
    %get3A_59 = arith.constant 0 : index
    %get3A_60 = vector.load %arg9[%get3A_58, %get3A_59] : memref<16x128xf32, #tpu.memory_space<vmem>>, vector<16x128xf32>
    %broadcast_in_dim3A_61 = vector.shape_cast %get3A_60 : vector<16x128xf32> to vector<1x16x128xf32>
    %add3A_62 = vector.broadcast %broadcast_in_dim3A : vector<1000x1x128xf32> to vector<1000x16x128xf32>
    %add3A_63 = vector.broadcast %broadcast_in_dim3A_61 : vector<1x16x128xf32> to vector<1000x16x128xf32>
    %add3A_64 = arith.addf %add3A_62, %add3A_63 : vector<1000x16x128xf32>
    %tanh3A_65 = math.tanh %add3A_64 : vector<1000x16x128xf32>
    %reshape3A = vector.shape_cast %tanh3A_65 : vector<1000x16x128xf32> to vector<16000x128xf32>
    %swap3A_66 = arith.constant 0 : index
    %swap3A_67 = arith.constant 0 : index
    %swap3A_68 = vector.load %arg11[%swap3A_66, %swap3A_67] : memref<16000x128xf32, #tpu.memory_space<vmem>>, vector<16000x128xf32>
    tpu.vector_store %arg11[%swap3A_66, %swap3A_67], %reshape3A {strides = array<i32>} : memref<16000x128xf32, #tpu.memory_space<vmem>>, vector<16000x128xf32>,
    return
  }
  func.func @transform_0(%arg0: i32) -> (i32, i32) {
    %c0_i32 = arith.constant 0 : i32
    %c0_i32_0 = arith.constant 0 : i32
    return %arg0, %c0_i32 : i32, i32
  }
  func.func @transform_1(%arg0: i32) -> (i32, i32) {
    %c0_i32 = arith.constant 0 : i32
    %c0_i32_0 = arith.constant 0 : i32
    return %arg0, %c0_i32 : i32, i32
  }
  func.func @transform_2(%arg0: i32) -> (i32, i32) {
    %c0_i32 = arith.constant 0 : i32
    %c0_i32_0 = arith.constant 0 : i32
    return %arg0, %c0_i32 : i32, i32
  }
  func.func @transform_3(%arg0: i32) -> (i32, i32) {
    %c0_i32 = arith.constant 0 : i32
    %c0_i32_0 = arith.constant 0 : i32
    %c0_i32_1 = arith.constant 0 : i32
    return %c0_i32, %c0_i32_0 : i32, i32
  }
  func.func @transform_4(%arg0: i32) -> (i32, i32) {
    %c0_i32 = arith.constant 0 : i32
    %c0_i32_0 = arith.constant 0 : i32
    %c0_i32_1 = arith.constant 0 : i32
    return %c0_i32, %c0_i32_0 : i32, i32
  }
  func.func @transform_5(%arg0: i32) -> (i32, i32) {
    %c0_i32 = arith.constant 0 : i32
    %c0_i32_0 = arith.constant 0 : i32
    %c0_i32_1 = arith.constant 0 : i32
    return %c0_i32, %c0_i32_0 : i32, i32
  }
  func.func @transform_6(%arg0: i32) -> (i32, i32) {
    %c0_i32 = arith.constant 0 : i32
    %c0_i32_0 = arith.constant 0 : i32
    %c0_i32_1 = arith.constant 0 : i32
    return %c0_i32, %c0_i32_0 : i32, i32
  }
  func.func @transform_7(%arg0: i32) -> (i32, i32) {
    %c0_i32 = arith.constant 0 : i32
    %c0_i32_0 = arith.constant 0 : i32
    %c0_i32_1 = arith.constant 0 : i32
    return %c0_i32, %c0_i32_0 : i32, i32
  }
  func.func @transform_8(%arg0: i32) -> (i32, i32) {
    %c0_i32 = arith.constant 0 : i32
    %c0_i32_0 = arith.constant 0 : i32
    %c0_i32_1 = arith.constant 0 : i32
    return %c0_i32, %c0_i32_0 : i32, i32
  }
  func.func @transform_9(%arg0: i32) -> (i32, i32) {
    %c0_i32 = arith.constant 0 : i32
    %c0_i32_0 = arith.constant 0 : i32
    return %arg0, %c0_i32 : i32, i32
  }
  func.func @transform_10(%arg0: i32) -> (i32, i32) {
    %c0_i32 = arith.constant 0 : i32
    %c0_i32_0 = arith.constant 0 : i32
    return %arg0, %c0_i32 : i32, i32
  }
}

module attributes {stable_mosaic.version = 14 : i64} {
  func.func @_gru_body(%arg0: i32, %arg1: i32, %arg2: memref<200x56x128xf32, #tpu.memory_space<vmem>>, %arg3: memref<1x128x384xf32, #tpu.memory_space<vmem>>, %arg4: memref<1x128x384xf32, #tpu.memory_space<vmem>>, %arg5: memref<1x1x384xf32, #tpu.memory_space<vmem>>, %arg6: memref<1x1x384xf32, #tpu.memory_space<vmem>>, %arg7: memref<1x56x128xf32, #tpu.memory_space<vmem>>, %arg8: memref<200x56x128xf32, #tpu.memory_space<vmem>>, %arg9: memref<56x128xf32, #tpu.memory_space<vmem>>, %arg10: memref<200x56x384xf32, #tpu.memory_space<vmem>>) attributes {dimension_semantics = [#tpu.dimension_semantics<arbitrary>, #tpu.dimension_semantics<arbitrary>], iteration_bounds = array<i64: 3, 200>, scalar_prefetch = 0 : i64, scratch_operands = 3 : i64, tpu.core_type = #tpu.core_type<tc>, window_params = [{pipeline_mode = #tpu.pipeline_mode<synchronous>, transform_indices = @transform_0, window_bounds = array<i64: 200, 56, 128>}, {transform_indices = @transform_1, window_bounds = array<i64: 1, 128, 384>}, {transform_indices = @transform_2, window_bounds = array<i64: 1, 128, 384>}, {transform_indices = @transform_3, window_bounds = array<i64: 1, 1, 384>}, {transform_indices = @transform_4, window_bounds = array<i64: 1, 1, 384>}, {transform_indices = @transform_5, window_bounds = array<i64: 1, 56, 128>}]} {
    %eq3A = arith.constant 0 : i32
    %eq3A_0 = arith.cmpi eq, %arg1, %eq3A : i32
    %convert_element_type3A = arith.extui %eq3A_0 : i1 to i32
    %cond3A = arith.constant 0 : i32
    %cond3A_1 = arith.cmpi ne, %convert_element_type3A, %cond3A : i32
    scf.if %cond3A_1 {
      %broadcast_in_dim3A_56 = arith.constant 0.000000e+00 : f32
      %broadcast_in_dim3A_57 = vector.broadcast %broadcast_in_dim3A_56 : f32 to vector<56x128xf32>
      %swap3A_58 = arith.constant 0 : index
      %swap3A_59 = arith.constant 0 : index
      %swap3A_60 = vector.load %arg9[%swap3A_58, %swap3A_59] : memref<56x128xf32, #tpu.memory_space<vmem>>, vector<56x128xf32>
      tpu.vector_store %arg9[%swap3A_58, %swap3A_59], %broadcast_in_dim3A_57 {strides = array<i32>} : memref<56x128xf32, #tpu.memory_space<vmem>>, vector<56x128xf32>,
      %eq3A_61 = arith.constant 0 : i32
      %eq3A_62 = arith.cmpi eq, %arg0, %eq3A_61 : i32
      %get3A_63 = arith.constant 0 : index
      %get3A_64 = arith.constant 0 : index
      %get3A_65 = arith.constant 0 : index
      %get3A_66 = vector.load %arg2[%get3A_63, %get3A_64, %get3A_65] : memref<200x56x128xf32, #tpu.memory_space<vmem>>, vector<200x56x128xf32>
      %get3A_67 = arith.constant 0 : index
      %get3A_68 = arith.constant 0 : index
      %get3A_69 = arith.constant 0 : index
      %get3A_70 = vector.load %arg8[%get3A_67, %get3A_68, %get3A_69] : memref<200x56x128xf32, #tpu.memory_space<vmem>>, vector<200x56x128xf32>
      %select_n3A = arith.select %eq3A_62, %get3A_66, %get3A_70 : vector<200x56x128xf32>
      %reshape3A = vector.shape_cast %select_n3A : vector<200x56x128xf32> to vector<11200x128xf32>
      %get3A_71 = arith.constant 0 : index
      %get3A_72 = arith.constant 0 : index
      %get3A_73 = arith.constant 0 : index
      %get3A_74 = vector.load %arg3[%get3A_71, %get3A_72, %get3A_73] : memref<1x128x384xf32, #tpu.memory_space<vmem>>, vector<1x128x384xf32>
      %get3A_75 = vector.shape_cast %get3A_74 : vector<1x128x384xf32> to vector<128x384xf32>
      %dot_general3A_76 = arith.constant dense<0.000000e+00> : vector<11200x384xf32>
      %dot_general3A_77 = tpu.matmul %reshape3A, %get3A_75, %dot_general3A_76 {dimension_numbers = #tpu.dot_dimension_numbers<[1], [0], [0], [1], [0, 0, 1, 1], [], []>, transpose_lhs_hint = false} : vector<11200x128xf32>, vector<128x384xf32>, vector<11200x384xf32> -> vector<11200x384xf32>
      %get3A_78 = arith.constant 0 : index
      %get3A_79 = arith.constant 0 : index
      %get3A_80 = arith.constant 0 : index
      %get3A_81 = vector.load %arg5[%get3A_78, %get3A_79, %get3A_80] : memref<1x1x384xf32, #tpu.memory_space<vmem>>, vector<1x1x384xf32>
      %get3A_82 = vector.shape_cast %get3A_81 : vector<1x1x384xf32> to vector<1x384xf32>
      %add3A_83 = vector.broadcast %get3A_82 : vector<1x384xf32> to vector<11200x384xf32>
      %add3A_84 = arith.addf %dot_general3A_77, %add3A_83 : vector<11200x384xf32>
      %reshape3A_85 = vector.shape_cast %add3A_84 : vector<11200x384xf32> to vector<200x56x384xf32>
      %swap3A_86 = arith.constant 0 : index
      %swap3A_87 = arith.constant 0 : index
      %swap3A_88 = arith.constant 0 : index
      %swap3A_89 = vector.load %arg10[%swap3A_86, %swap3A_87, %swap3A_88] : memref<200x56x384xf32, #tpu.memory_space<vmem>>, vector<200x56x384xf32>
      tpu.vector_store %arg10[%swap3A_86, %swap3A_87, %swap3A_88], %reshape3A_85 {strides = array<i32>} : memref<200x56x384xf32, #tpu.memory_space<vmem>>, vector<200x56x384xf32>,
    } else {
    }
    %get3A = arith.index_cast %arg1 : i32 to index
    %get3A_2 = arith.constant 0 : index
    %get3A_3 = arith.constant 0 : index
    %get3A_4 = vector.load %arg10[%get3A, %get3A_2, %get3A_3] : memref<200x56x384xf32, #tpu.memory_space<vmem>>, vector<1x56x384xf32>
    %squeeze3A = vector.shape_cast %get3A_4 : vector<1x56x384xf32> to vector<56x384xf32>
    %get3A_5 = arith.constant 0 : index
    %get3A_6 = arith.constant 0 : index
    %get3A_7 = vector.load %arg9[%get3A_5, %get3A_6] : memref<56x128xf32, #tpu.memory_space<vmem>>, vector<56x128xf32>
    %get3A_8 = arith.constant 0 : index
    %get3A_9 = arith.constant 0 : index
    %get3A_10 = arith.constant 0 : index
    %get3A_11 = vector.load %arg4[%get3A_8, %get3A_9, %get3A_10] : memref<1x128x384xf32, #tpu.memory_space<vmem>>, vector<1x128x384xf32>
    %get3A_12 = vector.shape_cast %get3A_11 : vector<1x128x384xf32> to vector<128x384xf32>
    %dot_general3A = arith.constant dense<0.000000e+00> : vector<56x384xf32>
    %dot_general3A_13 = tpu.matmul %get3A_7, %get3A_12, %dot_general3A {dimension_numbers = #tpu.dot_dimension_numbers<[1], [0], [0], [1], [0, 0, 1, 1], [], []>, transpose_lhs_hint = false} : vector<56x128xf32>, vector<128x384xf32>, vector<56x384xf32> -> vector<56x384xf32>
    %get3A_14 = arith.constant 0 : index
    %get3A_15 = arith.constant 0 : index
    %get3A_16 = arith.constant 0 : index
    %get3A_17 = vector.load %arg6[%get3A_14, %get3A_15, %get3A_16] : memref<1x1x384xf32, #tpu.memory_space<vmem>>, vector<1x1x384xf32>
    %get3A_18 = vector.shape_cast %get3A_17 : vector<1x1x384xf32> to vector<1x384xf32>
    %add3A = vector.broadcast %get3A_18 : vector<1x384xf32> to vector<56x384xf32>
    %add3A_19 = arith.addf %dot_general3A_13, %add3A : vector<56x384xf32>
    %slice3A = vector.extract_strided_slice %squeeze3A {offsets = [0, 0], sizes = [56, 128], strides = [1, 1]} : vector<56x384xf32> to vector<56x128xf32>
    %slice3A_20 = vector.extract_strided_slice %add3A_19 {offsets = [0, 0], sizes = [56, 128], strides = [1, 1]} : vector<56x384xf32> to vector<56x128xf32>
    %add3A_21 = arith.addf %slice3A, %slice3A_20 : vector<56x128xf32>
    %logistic3A = arith.negf %add3A_21 : vector<56x128xf32>
    %logistic3A_22 = math.exp %logistic3A : vector<56x128xf32>
    %logistic3A_23 = arith.constant 1.000000e+00 : f32
    %logistic3A_24 = vector.broadcast %logistic3A_23 : f32 to vector<56x128xf32>
    %logistic3A_25 = arith.addf %logistic3A_24, %logistic3A_22 : vector<56x128xf32>
    %logistic3A_26 = arith.divf %logistic3A_24, %logistic3A_25 : vector<56x128xf32>
    %slice3A_27 = vector.extract_strided_slice %squeeze3A {offsets = [0, 128], sizes = [56, 128], strides = [1, 1]} : vector<56x384xf32> to vector<56x128xf32>
    %slice3A_28 = vector.extract_strided_slice %add3A_19 {offsets = [0, 128], sizes = [56, 128], strides = [1, 1]} : vector<56x384xf32> to vector<56x128xf32>
    %add3A_29 = arith.addf %slice3A_27, %slice3A_28 : vector<56x128xf32>
    %logistic3A_30 = arith.negf %add3A_29 : vector<56x128xf32>
    %logistic3A_31 = math.exp %logistic3A_30 : vector<56x128xf32>
    %logistic3A_32 = arith.constant 1.000000e+00 : f32
    %logistic3A_33 = vector.broadcast %logistic3A_32 : f32 to vector<56x128xf32>
    %logistic3A_34 = arith.addf %logistic3A_33, %logistic3A_31 : vector<56x128xf32>
    %logistic3A_35 = arith.divf %logistic3A_33, %logistic3A_34 : vector<56x128xf32>
    %slice3A_36 = vector.extract_strided_slice %squeeze3A {offsets = [0, 256], sizes = [56, 128], strides = [1, 1]} : vector<56x384xf32> to vector<56x128xf32>
    %slice3A_37 = vector.extract_strided_slice %add3A_19 {offsets = [0, 256], sizes = [56, 128], strides = [1, 1]} : vector<56x384xf32> to vector<56x128xf32>
    %mul3A = arith.mulf %logistic3A_26, %slice3A_37 : vector<56x128xf32>
    %add3A_38 = arith.addf %slice3A_36, %mul3A : vector<56x128xf32>
    %tanh3A = math.tanh %add3A_38 : vector<56x128xf32>
    %sub3A = arith.constant 1.000000e+00 : f32
    %sub3A_39 = vector.broadcast %sub3A : f32 to vector<56x128xf32>
    %sub3A_40 = arith.subf %sub3A_39, %logistic3A_35 : vector<56x128xf32>
    %mul3A_41 = arith.mulf %sub3A_40, %tanh3A : vector<56x128xf32>
    %mul3A_42 = arith.mulf %logistic3A_35, %get3A_7 : vector<56x128xf32>
    %add3A_43 = arith.addf %mul3A_41, %mul3A_42 : vector<56x128xf32>
    %swap3A = arith.constant 0 : index
    %swap3A_44 = arith.constant 0 : index
    %swap3A_45 = vector.load %arg9[%swap3A, %swap3A_44] : memref<56x128xf32, #tpu.memory_space<vmem>>, vector<56x128xf32>
    tpu.vector_store %arg9[%swap3A, %swap3A_44], %add3A_43 {strides = array<i32>} : memref<56x128xf32, #tpu.memory_space<vmem>>, vector<56x128xf32>,
    %broadcast_in_dim3A = vector.shape_cast %add3A_43 : vector<56x128xf32> to vector<1x56x128xf32>
    %swap3A_46 = arith.index_cast %arg1 : i32 to index
    %swap3A_47 = arith.constant 0 : index
    %swap3A_48 = arith.constant 0 : index
    %swap3A_49 = vector.load %arg8[%swap3A_46, %swap3A_47, %swap3A_48] : memref<200x56x128xf32, #tpu.memory_space<vmem>>, vector<1x56x128xf32>
    tpu.vector_store %arg8[%swap3A_46, %swap3A_47, %swap3A_48], %broadcast_in_dim3A {strides = array<i32>} : memref<200x56x128xf32, #tpu.memory_space<vmem>>, vector<1x56x128xf32>,
    %swap3A_50 = arith.constant 0 : index
    %swap3A_51 = arith.constant 0 : index
    %swap3A_52 = arith.constant 0 : index
    %swap3A_53 = vector.load %arg7[%swap3A_50, %swap3A_51, %swap3A_52] : memref<1x56x128xf32, #tpu.memory_space<vmem>>, vector<1x56x128xf32>
    %swap3A_54 = vector.shape_cast %swap3A_53 : vector<1x56x128xf32> to vector<56x128xf32>
    %swap3A_55 = vector.shape_cast %add3A_43 : vector<56x128xf32> to vector<1x56x128xf32>
    tpu.vector_store %arg7[%swap3A_50, %swap3A_51, %swap3A_52], %swap3A_55 {strides = array<i32>} : memref<1x56x128xf32, #tpu.memory_space<vmem>>, vector<1x56x128xf32>,
    return
  }
  func.func @transform_0(%arg0: i32, %arg1: i32) -> (i32, i32, i32) {
    %c0_i32 = arith.constant 0 : i32
    %c0_i32_0 = arith.constant 0 : i32
    %c0_i32_1 = arith.constant 0 : i32
    %c0_i32_2 = arith.constant 0 : i32
    return %c0_i32, %c0_i32_0, %c0_i32_1 : i32, i32, i32
  }
  func.func @transform_1(%arg0: i32, %arg1: i32) -> (i32, i32, i32) {
    %c0_i32 = arith.constant 0 : i32
    %c0_i32_0 = arith.constant 0 : i32
    %c0_i32_1 = arith.constant 0 : i32
    return %arg0, %c0_i32, %c0_i32_0 : i32, i32, i32
  }
  func.func @transform_2(%arg0: i32, %arg1: i32) -> (i32, i32, i32) {
    %c0_i32 = arith.constant 0 : i32
    %c0_i32_0 = arith.constant 0 : i32
    %c0_i32_1 = arith.constant 0 : i32
    return %arg0, %c0_i32, %c0_i32_0 : i32, i32, i32
  }
  func.func @transform_3(%arg0: i32, %arg1: i32) -> (i32, i32, i32) {
    %c0_i32 = arith.constant 0 : i32
    %c0_i32_0 = arith.constant 0 : i32
    %c0_i32_1 = arith.constant 0 : i32
    return %arg0, %c0_i32, %c0_i32_0 : i32, i32, i32
  }
  func.func @transform_4(%arg0: i32, %arg1: i32) -> (i32, i32, i32) {
    %c0_i32 = arith.constant 0 : i32
    %c0_i32_0 = arith.constant 0 : i32
    %c0_i32_1 = arith.constant 0 : i32
    return %arg0, %c0_i32, %c0_i32_0 : i32, i32, i32
  }
  func.func @transform_5(%arg0: i32, %arg1: i32) -> (i32, i32, i32) {
    %c0_i32 = arith.constant 0 : i32
    %c0_i32_0 = arith.constant 0 : i32
    %c0_i32_1 = arith.constant 0 : i32
    return %arg1, %c0_i32, %c0_i32_0 : i32, i32, i32
  }
}

module attributes {stable_mosaic.version = 14 : i64} {
  func.func @_cell_body(%arg0: i32, %arg1: memref<1000x128xf32, #tpu.memory_space<vmem>>, %arg2: memref<1000x128xf32, #tpu.memory_space<vmem>>, %arg3: memref<1000x128xf32, #tpu.memory_space<vmem>>, %arg4: memref<128x384xf32, #tpu.memory_space<vmem>>, %arg5: memref<128x384xf32, #tpu.memory_space<vmem>>, %arg6: memref<1x384xf32, #tpu.memory_space<vmem>>, %arg7: memref<1x384xf32, #tpu.memory_space<vmem>>, %arg8: memref<1000x128xf32, #tpu.memory_space<vmem>>) attributes {dimension_semantics = [#tpu.dimension_semantics<arbitrary>], iteration_bounds = array<i64: 10>, scalar_prefetch = 0 : i64, scratch_operands = 0 : i64, tpu.core_type = #tpu.core_type<tc>, window_params = [{transform_indices = @transform_0, window_bounds = array<i64: 1000, 128>}, {transform_indices = @transform_1, window_bounds = array<i64: 1000, 128>}, {transform_indices = @transform_2, window_bounds = array<i64: 1000, 128>}, {pipeline_mode = #tpu.pipeline_mode<synchronous>, transform_indices = @transform_3, window_bounds = array<i64: 128, 384>}, {pipeline_mode = #tpu.pipeline_mode<synchronous>, transform_indices = @transform_4, window_bounds = array<i64: 128, 384>}, {pipeline_mode = #tpu.pipeline_mode<synchronous>, transform_indices = @transform_5, window_bounds = array<i64: 1, 384>}, {pipeline_mode = #tpu.pipeline_mode<synchronous>, transform_indices = @transform_6, window_bounds = array<i64: 1, 384>}, {transform_indices = @transform_7, window_bounds = array<i64: 1000, 128>}]} {
    %get3A = arith.constant 0 : index
    %get3A_0 = arith.constant 0 : index
    %get3A_1 = vector.load %arg1[%get3A, %get3A_0] : memref<1000x128xf32, #tpu.memory_space<vmem>>, vector<1000x128xf32>
    %get3A_2 = arith.constant 0 : index
    %get3A_3 = arith.constant 0 : index
    %get3A_4 = vector.load %arg2[%get3A_2, %get3A_3] : memref<1000x128xf32, #tpu.memory_space<vmem>>, vector<1000x128xf32>
    %add3A = arith.addf %get3A_1, %get3A_4 : vector<1000x128xf32>
    %get3A_5 = arith.constant 0 : index
    %get3A_6 = arith.constant 0 : index
    %get3A_7 = vector.load %arg3[%get3A_5, %get3A_6] : memref<1000x128xf32, #tpu.memory_space<vmem>>, vector<1000x128xf32>
    %get3A_8 = arith.constant 0 : index
    %get3A_9 = arith.constant 0 : index
    %get3A_10 = vector.load %arg4[%get3A_8, %get3A_9] : memref<128x384xf32, #tpu.memory_space<vmem>>, vector<128x384xf32>
    %dot_general3A = arith.constant dense<0.000000e+00> : vector<1000x384xf32>
    %dot_general3A_11 = tpu.matmul %add3A, %get3A_10, %dot_general3A {dimension_numbers = #tpu.dot_dimension_numbers<[1], [0], [0], [1], [0, 0, 1, 1], [], []>, transpose_lhs_hint = false} : vector<1000x128xf32>, vector<128x384xf32>, vector<1000x384xf32> -> vector<1000x384xf32>
    %get3A_12 = arith.constant 0 : index
    %get3A_13 = arith.constant 0 : index
    %get3A_14 = vector.load %arg6[%get3A_12, %get3A_13] : memref<1x384xf32, #tpu.memory_space<vmem>>, vector<1x384xf32>
    %add3A_15 = vector.broadcast %get3A_14 : vector<1x384xf32> to vector<1000x384xf32>
    %add3A_16 = arith.addf %dot_general3A_11, %add3A_15 : vector<1000x384xf32>
    %get3A_17 = arith.constant 0 : index
    %get3A_18 = arith.constant 0 : index
    %get3A_19 = vector.load %arg5[%get3A_17, %get3A_18] : memref<128x384xf32, #tpu.memory_space<vmem>>, vector<128x384xf32>
    %dot_general3A_20 = arith.constant dense<0.000000e+00> : vector<1000x384xf32>
    %dot_general3A_21 = tpu.matmul %get3A_7, %get3A_19, %dot_general3A_20 {dimension_numbers = #tpu.dot_dimension_numbers<[1], [0], [0], [1], [0, 0, 1, 1], [], []>, transpose_lhs_hint = false} : vector<1000x128xf32>, vector<128x384xf32>, vector<1000x384xf32> -> vector<1000x384xf32>
    %get3A_22 = arith.constant 0 : index
    %get3A_23 = arith.constant 0 : index
    %get3A_24 = vector.load %arg7[%get3A_22, %get3A_23] : memref<1x384xf32, #tpu.memory_space<vmem>>, vector<1x384xf32>
    %add3A_25 = vector.broadcast %get3A_24 : vector<1x384xf32> to vector<1000x384xf32>
    %add3A_26 = arith.addf %dot_general3A_21, %add3A_25 : vector<1000x384xf32>
    %slice3A = vector.extract_strided_slice %add3A_16 {offsets = [0, 0], sizes = [1000, 128], strides = [1, 1]} : vector<1000x384xf32> to vector<1000x128xf32>
    %slice3A_27 = vector.extract_strided_slice %add3A_26 {offsets = [0, 0], sizes = [1000, 128], strides = [1, 1]} : vector<1000x384xf32> to vector<1000x128xf32>
    %add3A_28 = arith.addf %slice3A, %slice3A_27 : vector<1000x128xf32>
    %logistic3A = arith.negf %add3A_28 : vector<1000x128xf32>
    %logistic3A_29 = math.exp %logistic3A : vector<1000x128xf32>
    %logistic3A_30 = arith.constant 1.000000e+00 : f32
    %logistic3A_31 = vector.broadcast %logistic3A_30 : f32 to vector<1000x128xf32>
    %logistic3A_32 = arith.addf %logistic3A_31, %logistic3A_29 : vector<1000x128xf32>
    %logistic3A_33 = arith.divf %logistic3A_31, %logistic3A_32 : vector<1000x128xf32>
    %slice3A_34 = vector.extract_strided_slice %add3A_16 {offsets = [0, 128], sizes = [1000, 128], strides = [1, 1]} : vector<1000x384xf32> to vector<1000x128xf32>
    %slice3A_35 = vector.extract_strided_slice %add3A_26 {offsets = [0, 128], sizes = [1000, 128], strides = [1, 1]} : vector<1000x384xf32> to vector<1000x128xf32>
    %add3A_36 = arith.addf %slice3A_34, %slice3A_35 : vector<1000x128xf32>
    %logistic3A_37 = arith.negf %add3A_36 : vector<1000x128xf32>
    %logistic3A_38 = math.exp %logistic3A_37 : vector<1000x128xf32>
    %logistic3A_39 = arith.constant 1.000000e+00 : f32
    %logistic3A_40 = vector.broadcast %logistic3A_39 : f32 to vector<1000x128xf32>
    %logistic3A_41 = arith.addf %logistic3A_40, %logistic3A_38 : vector<1000x128xf32>
    %logistic3A_42 = arith.divf %logistic3A_40, %logistic3A_41 : vector<1000x128xf32>
    %slice3A_43 = vector.extract_strided_slice %add3A_16 {offsets = [0, 256], sizes = [1000, 128], strides = [1, 1]} : vector<1000x384xf32> to vector<1000x128xf32>
    %slice3A_44 = vector.extract_strided_slice %add3A_26 {offsets = [0, 256], sizes = [1000, 128], strides = [1, 1]} : vector<1000x384xf32> to vector<1000x128xf32>
    %mul3A = arith.mulf %logistic3A_33, %slice3A_44 : vector<1000x128xf32>
    %add3A_45 = arith.addf %slice3A_43, %mul3A : vector<1000x128xf32>
    %tanh3A = math.tanh %add3A_45 : vector<1000x128xf32>
    %sub3A = arith.constant 1.000000e+00 : f32
    %sub3A_46 = vector.broadcast %sub3A : f32 to vector<1000x128xf32>
    %sub3A_47 = arith.subf %sub3A_46, %logistic3A_42 : vector<1000x128xf32>
    %mul3A_48 = arith.mulf %sub3A_47, %tanh3A : vector<1000x128xf32>
    %mul3A_49 = arith.mulf %logistic3A_42, %get3A_7 : vector<1000x128xf32>
    %add3A_50 = arith.addf %mul3A_48, %mul3A_49 : vector<1000x128xf32>
    %swap3A = arith.constant 0 : index
    %swap3A_51 = arith.constant 0 : index
    %swap3A_52 = vector.load %arg8[%swap3A, %swap3A_51] : memref<1000x128xf32, #tpu.memory_space<vmem>>, vector<1000x128xf32>
    tpu.vector_store %arg8[%swap3A, %swap3A_51], %add3A_50 {strides = array<i32>} : memref<1000x128xf32, #tpu.memory_space<vmem>>, vector<1000x128xf32>,
    return
  }
  func.func @transform_0(%arg0: i32) -> (i32, i32) {
    %c0_i32 = arith.constant 0 : i32
    %c0_i32_0 = arith.constant 0 : i32
    return %arg0, %c0_i32 : i32, i32
  }
  func.func @transform_1(%arg0: i32) -> (i32, i32) {
    %c0_i32 = arith.constant 0 : i32
    %c0_i32_0 = arith.constant 0 : i32
    return %arg0, %c0_i32 : i32, i32
  }
  func.func @transform_2(%arg0: i32) -> (i32, i32) {
    %c0_i32 = arith.constant 0 : i32
    %c0_i32_0 = arith.constant 0 : i32
    return %arg0, %c0_i32 : i32, i32
  }
  func.func @transform_3(%arg0: i32) -> (i32, i32) {
    %c0_i32 = arith.constant 0 : i32
    %c0_i32_0 = arith.constant 0 : i32
    %c0_i32_1 = arith.constant 0 : i32
    return %c0_i32, %c0_i32_0 : i32, i32
  }
  func.func @transform_4(%arg0: i32) -> (i32, i32) {
    %c0_i32 = arith.constant 0 : i32
    %c0_i32_0 = arith.constant 0 : i32
    %c0_i32_1 = arith.constant 0 : i32
    return %c0_i32, %c0_i32_0 : i32, i32
  }
  func.func @transform_5(%arg0: i32) -> (i32, i32) {
    %c0_i32 = arith.constant 0 : i32
    %c0_i32_0 = arith.constant 0 : i32
    %c0_i32_1 = arith.constant 0 : i32
    return %c0_i32, %c0_i32_0 : i32, i32
  }
  func.func @transform_6(%arg0: i32) -> (i32, i32) {
    %c0_i32 = arith.constant 0 : i32
    %c0_i32_0 = arith.constant 0 : i32
    %c0_i32_1 = arith.constant 0 : i32
    return %c0_i32, %c0_i32_0 : i32, i32
  }
  func.func @transform_7(%arg0: i32) -> (i32, i32) {
    %c0_i32 = arith.constant 0 : i32
    %c0_i32_0 = arith.constant 0 : i32
    return %arg0, %c0_i32 : i32, i32
  }
}

module attributes {stable_mosaic.version = 14 : i64} {
  func.func @_post_body(%arg0: memref<10000x128xf32, #tpu.memory_space<vmem>>, %arg1: memref<10000x128xf32, #tpu.memory_space<vmem>>, %arg2: memref<1x10000xi32, #tpu.memory_space<vmem>>, %arg3: memref<50x1xi32, #tpu.memory_space<vmem>>, %arg4: memref<128x256xf32, #tpu.memory_space<vmem>>, %arg5: memref<1x256xf32, #tpu.memory_space<vmem>>, %arg6: memref<384x128xf32, #tpu.memory_space<vmem>>, %arg7: memref<1x128xf32, #tpu.memory_space<vmem>>, %arg8: memref<50x128xf32, #tpu.memory_space<vmem>>) attributes {dimension_semantics = [], scalar_prefetch = 0 : i64, scratch_operands = 0 : i64, tpu.core_type = #tpu.core_type<tc>} {
    %iota3A = tpu.iota {dimensions = array<i32: 0>} : vector<50x10000xi32>
    %get3A = arith.constant 0 : index
    %get3A_0 = arith.constant 0 : index
    %get3A_1 = vector.load %arg2[%get3A, %get3A_0] : memref<1x10000xi32, #tpu.memory_space<vmem>>, vector<1x10000xi32>
    %eq3A = vector.broadcast %get3A_1 : vector<1x10000xi32> to vector<50x10000xi32>
    %eq3A_2 = arith.cmpi eq, %iota3A, %eq3A : vector<50x10000xi32>
    %convert_element_type3A = arith.extui %eq3A_2 : vector<50x10000xi1> to vector<50x10000xi32>
    %convert_element_type3A_3 = arith.sitofp %convert_element_type3A : vector<50x10000xi32> to vector<50x10000xf32>
    %get3A_4 = arith.constant 0 : index
    %get3A_5 = arith.constant 0 : index
    %get3A_6 = vector.load %arg0[%get3A_4, %get3A_5] : memref<10000x128xf32, #tpu.memory_space<vmem>>, vector<10000x128xf32>
    %dot_general3A = arith.constant dense<0.000000e+00> : vector<50x128xf32>
    %dot_general3A_7 = tpu.matmul %convert_element_type3A_3, %get3A_6, %dot_general3A {dimension_numbers = #tpu.dot_dimension_numbers<[1], [0], [0], [1], [0, 0, 1, 1], [], []>, precision = #tpu.contract_precision<fp32>, transpose_lhs_hint = false} : vector<50x10000xf32>, vector<10000x128xf32>, vector<50x128xf32> -> vector<50x128xf32>
    %get3A_8 = arith.constant 0 : index
    %get3A_9 = arith.constant 0 : index
    %get3A_10 = vector.load %arg4[%get3A_8, %get3A_9] : memref<128x256xf32, #tpu.memory_space<vmem>>, vector<128x256xf32>
    %dot_general3A_11 = arith.constant dense<0.000000e+00> : vector<50x256xf32>
    %dot_general3A_12 = tpu.matmul %dot_general3A_7, %get3A_10, %dot_general3A_11 {dimension_numbers = #tpu.dot_dimension_numbers<[1], [0], [0], [1], [0, 0, 1, 1], [], []>, transpose_lhs_hint = false} : vector<50x128xf32>, vector<128x256xf32>, vector<50x256xf32> -> vector<50x256xf32>
    %get3A_13 = arith.constant 0 : index
    %get3A_14 = arith.constant 0 : index
    %get3A_15 = vector.load %arg5[%get3A_13, %get3A_14] : memref<1x256xf32, #tpu.memory_space<vmem>>, vector<1x256xf32>
    %add3A = vector.broadcast %get3A_15 : vector<1x256xf32> to vector<50x256xf32>
    %add3A_16 = arith.addf %dot_general3A_12, %add3A : vector<50x256xf32>
    %tanh3A = math.tanh %add3A_16 : vector<50x256xf32>
    %iota3A_17 = tpu.iota {dimensions = array<i32: 1>} : vector<50x10000xi32>
    %get3A_18 = arith.constant 0 : index
    %get3A_19 = arith.constant 0 : index
    %get3A_20 = vector.load %arg3[%get3A_18, %get3A_19] : memref<50x1xi32, #tpu.memory_space<vmem>>, vector<50x1xi32>
    %eq3A_21 = vector.broadcast %get3A_20 : vector<50x1xi32> to vector<50x10000xi32>
    %eq3A_22 = arith.cmpi eq, %iota3A_17, %eq3A_21 : vector<50x10000xi32>
    %convert_element_type3A_23 = arith.extui %eq3A_22 : vector<50x10000xi1> to vector<50x10000xi32>
    %convert_element_type3A_24 = arith.sitofp %convert_element_type3A_23 : vector<50x10000xi32> to vector<50x10000xf32>
    %get3A_25 = arith.constant 0 : index
    %get3A_26 = arith.constant 0 : index
    %get3A_27 = vector.load %arg1[%get3A_25, %get3A_26] : memref<10000x128xf32, #tpu.memory_space<vmem>>, vector<10000x128xf32>
    %dot_general3A_28 = arith.constant dense<0.000000e+00> : vector<50x128xf32>
    %dot_general3A_29 = tpu.matmul %convert_element_type3A_24, %get3A_27, %dot_general3A_28 {dimension_numbers = #tpu.dot_dimension_numbers<[1], [0], [0], [1], [0, 0, 1, 1], [], []>, precision = #tpu.contract_precision<fp32>, transpose_lhs_hint = false} : vector<50x10000xf32>, vector<10000x128xf32>, vector<50x128xf32> -> vector<50x128xf32>
    %concatenate3A = tpu.concatenate %dot_general3A_29, %tanh3A in 1 : vector<50x128xf32>, vector<50x256xf32> -> vector<50x384xf32>
    %get3A_30 = arith.constant 0 : index
    %get3A_31 = arith.constant 0 : index
    %get3A_32 = vector.load %arg6[%get3A_30, %get3A_31] : memref<384x128xf32, #tpu.memory_space<vmem>>, vector<384x128xf32>
    %dot_general3A_33 = arith.constant dense<0.000000e+00> : vector<50x128xf32>
    %dot_general3A_34 = tpu.matmul %concatenate3A, %get3A_32, %dot_general3A_33 {dimension_numbers = #tpu.dot_dimension_numbers<[1], [0], [0], [1], [0, 0, 1, 1], [], []>, transpose_lhs_hint = false} : vector<50x384xf32>, vector<384x128xf32>, vector<50x128xf32> -> vector<50x128xf32>
    %get3A_35 = arith.constant 0 : index
    %get3A_36 = arith.constant 0 : index
    %get3A_37 = vector.load %arg7[%get3A_35, %get3A_36] : memref<1x128xf32, #tpu.memory_space<vmem>>, vector<1x128xf32>
    %add3A_38 = vector.broadcast %get3A_37 : vector<1x128xf32> to vector<50x128xf32>
    %add3A_39 = arith.addf %dot_general3A_34, %add3A_38 : vector<50x128xf32>
    %swap3A = arith.constant 0 : index
    %swap3A_40 = arith.constant 0 : index
    %swap3A_41 = vector.load %arg8[%swap3A, %swap3A_40] : memref<50x128xf32, #tpu.memory_space<vmem>>, vector<50x128xf32>
    tpu.vector_store %arg8[%swap3A, %swap3A_40], %add3A_39 {strides = array<i32>} : memref<50x128xf32, #tpu.memory_space<vmem>>, vector<50x128xf32>,
    return
  }
}

</mosaic_0001>

<sc_bundles>
// kernel: kernel.13.cloned.1.call-start
scs
__scs_entry_jumppad:
0x0: {  	(pc) =	sbr.rel $0x88, $3  }
0x1: {  	(tag) =	ssettag $0x0;
	lr =	simm.s32 $0x1  }
0x2: {  	[smem:$0x3F80] =	sst lr;
	_ =	strace $0xD0000000  }
0x3: {  	_ = 	snop  }
0x4: {  	_ = 	snop  }
0x5: {  	_ = 	snop  }
0x6: {  	_ = 	snop  }
0x7: {  	_ = 	snop  }
__scs_overlays_trampoline_lowered:
0x8: {  	[smem:$0x3F8F] =	sst s0  }
0x9: {  	[smem:$0x3F90] =	sst s1  }
0xa: {  	[smem:$0x3F91] =	sst s2  }
0xb: {  	[smem:$0x3F92] =	sst s3  }
0xc: {  	[smem:$0x3F93] =	sst s4  }
0xd: {  	[smem:$0x3F94] =	sst s5  }
0xe: {  	[smem:$0x3F95] =	sst s6  }
0xf: {  	[smem:$0x3F96] =	sst s7  }
0x10: {  	[smem:$0x3F97] =	sst s8  }
0x11: {  	[smem:$0x3F98] =	sst s9;
	s0 =	simm.s32 @!p0 $0x0  }
0x12: {  	s1 =	sld [smem:$0x3F7E];
	s0 =	simm.s32 @p0 $0x1  }
0x13: {  	[smem:$0x3F99] =	sst s0;
	s0 =	simm.s32 @!p1 $0x0  }
0x14: {  	s2 =	sld [smem:$0x3F7D];
	s0 =	simm.s32 @p1 $0x1  }
0x15: {  	[smem:$0x3F9A] =	sst s0;
	s0 =	simm.s32 @!p2 $0x0  }
0x16: {  	s3 =	sld [smem:$0x3FDB];
	s0 =	simm.s32 @p2 $0x1  }
0x17: {  	s4 =	simm.s32 $0x1BF5;
	[smem:$0x3F9C] =	sst s0  }
0x18: {  	s0 =	sld [smem:$0x3F7F];
	_ =	swait.ge [sflag:s4], $0x0  }
0x19: {  	s7 =	sld [smem:$0x3F80]  }
0x1a: {  	s8 =	sadd.s32 $0xFFFFE003, lr  }
0x1b: {  	s9 =	sadd.s32 $0xFFFFFEF7, lr;
	s5 =	simm.s32 $0xFFFFFFFF;
	p2 =	slt.u32 s8, $0xFFFFF086  }
0x1c: {  	p1 =	slt.u32 s9, $0xF7A;
	s5 =	simm.s32 @!p2 $0x0  }
0x1d: {  	s5 =	simm.s32 @p1 $0x1;
	p0 =	seq.s32 s7, s2  }
0x1e: {  	s7 =	smul.u32 @!p0 $0xF7A, s2;
	p2 =	seq.s32 @!p0 s5, $0x0  }
0x1f: {  	s9 =	smul.u32 $0xF7A, s1;
	s8 =	simm.s32 @!p0 $0x1BF5;
	p2 =	por !p2, p0  }
0x20: {  	[sflag:s8] =	ssyncset.s32 @!p0 $0xFFFFF086;
	s6 =	sadd.s32 @!p0 s3, s7;
	s7 =	simm.s32 @!p0 $0x108  }
0x21: {  	s3 =	sadd.s32 s3, s9;
	s6 =	sadd.s32 @!p0 $0x88, s6;
	s7 =	simm.s32 @p2 $0x1082  }
0x22: {  	[simem:s7], [sflag:s8] =	dma.local @!p0 [hbm:s6], $0xF7A  }
0x23: {  	s9 =	sor.u32 $0xD0000000, s2;
	s6 =	simm.s32 $0x108;
	_ =	swait.ge @!p0 [sflag:s8], $0x0  }
0x24: {  	s3 =	sadd.s32 $0x88, s3;
	s6 =	simm.s32 @!p1 $0x1082;
	[sflag:s4] =	ssyncset.s32 $0xFFFFF086  }
0x25: {  	[simem:s6], [sflag:s4] =	dma.local [hbm:s3], $0xF7A  }
0x26: {  	[smem:$0x3F80] =	sst s1;
	(tag) =	ssettag s2;
	_ =	strace s9  }
0x27: {  	s1 =	sld [smem:$0x3F90]  }
0x28: {  	s2 =	sld [smem:$0x3F91]  }
0x29: {  	s4 =	sld [smem:$0x3F93]  }
0x2a: {  	p0 =	seq.s32 s5, $0x0;
	s5 =	sld [smem:$0x3F94]  }
0x2b: {  	s6 =	sld [smem:$0x3F95]  }
0x2c: {  	s7 =	sld [smem:$0x3F96]  }
0x2d: {  	s3 =	simm.s32 $0x108;
	s8 =	sld [smem:$0x3F97]  }
0x2e: {  	s3 =	simm.s32 @!p0 $0x1082;
	s9 =	sld [smem:$0x3F98]  }
0x2f: {  	lr =	sadd.s32 s0, s3;
	s0 =	sld [smem:$0x3F8F]  }
0x30: {  	s3 =	sld [smem:$0x3F92]  }
0x31: {  	[smem:$0x3F9B] =	sst s10  }
0x32: {  	s10 =	sld [smem:$0x3F99];
	_ =	sdelay $0x3  }
0x33: {  	p0 =	seq.s32 s10, $0x1;
	s10 =	sld [smem:$0x3F9B];
	_ =	sdelay $0x3  }
0x34: {  	[smem:$0x3F9B] =	sst s10  }
0x35: {  	s10 =	sld [smem:$0x3F9A];
	_ =	sdelay $0x3  }
0x36: {  	p1 =	seq.s32 s10, $0x1;
	s10 =	sld [smem:$0x3F9B];
	_ =	sdelay $0x3  }
0x37: {  	[smem:$0x3F9B] =	sst s10  }
0x38: {  	s10 =	sld [smem:$0x3F9C]  }
0x39: {  	_ = 	snop;
	(pc) =	sbr.ind lr, $3  }
0x3a: {  	_ = 	snop  }
0x3b: {  	_ = 	snop  }
0x3c: {  	p2 =	seq.s32 s10, $0x1;
	s10 =	sld [smem:$0x3F9B]  }
0x3d: {  	_ =	shalt  }
0x3e: {  	_ =	shalt  }
0x3f: {  	_ =	shalt  }
0x40: {  	_ =	shalt  }
0x41: {  	_ =	shalt  }
0x42: {  	_ =	shalt  }
0x43: {  	_ =	shalt  }
0x44: {  	_ =	shalt  }
0x45: {  	_ =	shalt  }
0x46: {  	_ =	shalt  }
0x47: {  	_ =	shalt  }
0x48: {  	_ =	shalt  }
0x49: {  	_ =	shalt  }
0x4a: {  	_ =	shalt  }
0x4b: {  	_ =	shalt  }
0x4c: {  	_ =	shalt  }
0x4d: {  	_ =	shalt  }
0x4e: {  	_ =	shalt  }
0x4f: {  	_ =	shalt  }
0x50: {  	_ =	shalt  }
0x51: {  	_ =	shalt  }
0x52: {  	_ =	shalt  }
0x53: {  	_ =	shalt  }
0x54: {  	_ =	shalt  }
0x55: {  	_ =	shalt  }
0x56: {  	_ =	shalt  }
0x57: {  	_ =	shalt  }
0x58: {  	_ =	shalt  }
0x59: {  	_ =	shalt  }
0x5a: {  	_ =	shalt  }
0x5b: {  	_ =	shalt  }
0x5c: {  	_ =	shalt  }
0x5d: {  	_ =	shalt  }
0x5e: {  	_ =	shalt  }
0x5f: {  	_ =	shalt  }
0x60: {  	_ =	shalt  }
0x61: {  	_ =	shalt  }
0x62: {  	_ =	shalt  }
0x63: {  	_ =	shalt  }
0x64: {  	_ =	shalt  }
0x65: {  	_ =	shalt  }
0x66: {  	_ =	shalt  }
0x67: {  	_ =	shalt  }
0x68: {  	_ =	shalt  }
0x69: {  	_ =	shalt  }
0x6a: {  	_ =	shalt  }
0x6b: {  	_ =	shalt  }
0x6c: {  	_ =	shalt  }
0x6d: {  	_ =	shalt  }
0x6e: {  	_ =	shalt  }
0x6f: {  	_ =	shalt  }
0x70: {  	_ =	shalt  }
0x71: {  	_ =	shalt  }
0x72: {  	_ =	shalt  }
0x73: {  	_ =	shalt  }
0x74: {  	_ =	shalt  }
0x75: {  	_ =	shalt  }
0x76: {  	_ =	shalt  }
0x77: {  	_ =	shalt  }
0x78: {  	_ =	shalt  }
0x79: {  	_ =	shalt  }
0x7a: {  	_ =	shalt  }
0x7b: {  	_ =	shalt  }
0x7c: {  	_ =	shalt  }
0x7d: {  	_ =	shalt  }
0x7e: {  	_ =	shalt  }
0x7f: {  	_ =	shalt  }
0x80: {  	_ =	shalt  }
0x81: {  	_ =	shalt  }
0x82: {  	_ =	shalt  }
0x83: {  	_ =	shalt  }
0x84: {  	_ =	shalt  }
0x85: {  	_ =	shalt  }
0x86: {  	_ =	shalt  }
0x87: {  	_ =	shalt  }
.Lfunc_end0:
.L_simem_size_0:
called_computation_lowered:
.L_overlay_start_0:
0x88: {  	s2 =	sld [smem:$0x3FD9]  }
0x89: {  	s3 =	sld [smem:$0x3FFE];
	_ =	sdelay $0x1  }
0x8a: {  	s1 =	srdreg.scid  }
0x8b: {  	s0 =	sand.u32 $0x1, s1  }
0x8c: {  	s14 =	sshll.u32 s0, $0xA;
	s2 =	sadd.s32 s3, s2  }
0x8d: {  	s2 =	sadd.s32 s2, s14  }
0x8e: {  	[smem:$0x3FA7] =	sst s2  }
0x8f: {  	_ = 	snop  }
0x90: {  	s2 =	sld [smem:$0x3FD0];
	_ =	sdelay $0x2  }
0x91: {  	s15 =	simm.s32 $0xA;
	s4 =	simm.s32 $0x10  }
0x92: {  	[smem:s4], [sflag:s15] =	dma.local [hbm:s2], $0x1  }
0x93: {  	_ =	swait.eq [sflag:s15], $0x1  }
0x94: {  	[sflag:s15] =	ssyncset.done $0x0  }
0x95: {  	[sflag:s15] =	ssyncadd.s32 $0xFFFFFFFF  }
0x96: {  	s16 =	sld [smem:$0x10];
	(tm) =	ssettm $0x1  }
0x97: {  	s17 =	sld [smem:$0x3FFB];
	_ =	sdelay $0x3  }
0x98: {  	_ =	strace s17  }
0x99: {  	s3 =	sld [smem:$0x3FFC];
	_ =	sdelay $0x3  }
0x9a: {  	_ =	strace s3  }
0x9b: {  	s3 =	sld [smem:$0x3FFD];
	_ =	sdelay $0x3  }
0x9c: {  	_ =	strace s3  }
0x9d: {  	_ =	strace $0x8FFFFFFF  }
0x9e: {  	s18 =	sld [smem:$0x3FDB];
	_ =	sdelay $0x1  }
0x9f: {  	s19 =	simm.s32 $_scs_section_size  }
0xa0: {  	s5 =	simm.s32 $_size__tile_overlayer_lowered;
	s6 =	simm.s32 $_tile_overlayer_lowered  }
0xa1: {  	s22 =	simm.s32 $0x1BFF;
	s21 =	sshll.u32 s6, $0x1;
	s3 =	sadd.s32 s19, s18  }
0xa2: {  	s7 =	simm.s32 $0x0;
	s20 =	sshll.u32 s5, $0x1;
	s5 =	sadd.s32 s21, s3  }
0xa3: {  	[timem:s7], [sflag:s22] =	dma.local [hbm:s5], s20  }
0xa4: {  	_ =	swait.ge [sflag:s22], s20  }
0xa5: {  	s4 =	ssub.s32 $0x0, s20;
	[sflag:s22] =	ssyncset.done $0x0  }
0xa6: {  	[sflag:s22] =	ssyncadd.s32 s4;
	_ =	sdelay $0x1  }
0xa7: {  	s23 =	simm.s32 $0x1B8B  }
0xa8: {  	_ =	swait.ge [sflag:s23], $0x1  }
0xa9: {  	[sflag:s23] =	ssyncset.done $0x0  }
0xaa: {  	s25 =	simm.s32 $0x1B8E;
	s24 =	sld [smem:$0x3FFE];
	[sflag:s23] =	ssyncadd.s32 $0xFFFFFFFF  }
0xab: {  	s26 =	simm.s32 $execute0_lowered;
	[smem:$0x3FD2] =	sst s25  }
0xac: {  	s5 =	sshll.u32 s26, $0x1;
	_ =	strace $0x80000046;
	[dreg:$0x1] =	wrdreg $0xFFFFFFFF  }
0xad: {  	s28 =	simm.s32 $_size_execute0_lowered;
	s3 =	sadd.s32 s3, s5;
	[dreg:$0x0] =	wrdreg $0x0  }
0xae: {  	s5 =	sshll.u32 s28, $0x1;
	[dreg:$0x2] =	wrdreg s3  }
0xaf: {  	[dreg:$0x3] =	wrdreg s5  }
0xb0: {  	[dreg:$0x4] =	wrdreg $0xC0  }
0xb1: {  	_ =	task [dreg:s7], $0x5FFFF  }
0xb2: {  	[dreg:$0x1] =	wrdreg $0xFFFFFFFF  }
0xb3: {  	[dreg:$0x0] =	wrdreg $0x60  }
0xb4: {  	[dreg:$0x2] =	wrdreg s16  }
0xb5: {  	[dreg:$0x3] =	wrdreg s24  }
0xb6: {  	[dreg:$0x4] =	wrdreg $0x9  }
0xb7: {  	_ =	task.clear_ibuf [dreg:s7], $0x5FFFF;
	_ =	strace $0x90000046  }
0xb8: {  	s29 =	simm.s32 $0x9;
	_ =	strace $0x80000048  }
0xb9: {  	_ =	swait.ge [sflag:s29], $0x1  }
0xba: {  	[sflag:s29] =	ssyncadd.s32 $0xFFFFFFFF  }
0xbb: {  	_ =	strace $0x90000048  }
0xbc: {  	_ =	sfence  }
0xbd: {  	s30 =	sld [smem:$0x0];
	_ =	sdelay $0x2  }
0xbe: {  	s31 =	sshll.u32 s1, $0xD;
	s1 =	sshrl.u32 s1, $0x2  }
0xbf: {  	s3 =	sand.u32 $0x4000, s31;
	s1 =	sadd.s32 s1, s30  }
0xc0: {  	s0 =	sor.u32 s3, s0;
	s1 =	sshll.u32 s1, $0x11  }
0xc1: {  	s0 =	sor.u32 s1, s0  }
0xc2: {  	s0 =	sadd.s32 $0x8F2B, s0  }
0xc3: {  	[sflag:s0] =	ssyncadd.remote.s32 $0x1  }
0xc4: {  	_ =	sfence.sel $0xFFFF  }
0xc5: {  	[dreg:$0x0] =	wrdreg $0xFFFFFFFF;
	(pc) =	sbr.abs _section_cstart, $3  }
0xc6: {  	[dreg:$0x1] =	wrdreg $0xFFFFFFFF  }
0xc7: {  	_ =	task.clear_ibuf [dreg:s7], $0x2FFFF;
	_ =	strace $0x9FFFFFFF  }
0xc8: {  	(tm) =	ssettm $0x7FFFFFFF  }
0xc9: {  	_ =	shalt  }
tec
execute0_lowered:
.L_overlay_start_1:
0x0: {  	(tag) =	ssettag $0x1  }
0x1: {  	s1 =	srdreg.scid;
	s0 =	stileid.u32  }
0x2: {  	s21 =	sand.u32 $0x1, s1;
	s26 =	sshll.u32 s0, $0x1  }
0x3: {  	s2 =	rddreg [dreg:$0x0];
	s12 =	sor.u32 s21, s26  }
0x4: {  	s13 =	rddreg [dreg:$0x1];
	s22 =	smul.u32 $0x140, s12  }
0x5: {  	s3 =	simm.s32 $0x0;
	s1 =	rddreg [dreg:$0x2]  }
0x6: {  	[smem:$0x7FF] =	sst s3;
	s20 =	sadd.s32 $0x7000, s13;
	s4 =	sshrl.u32 s22, $0x3  }
0x7: {  	_ =	strace $0x80000047;
	s5 =	sadd.s32 s20, s4;
	s4 =	simm.s32 $0x3  }
0x8: {  	[tilespmem:s3], [sflag:$0x3] =	stream.linear.gather [hbm4b:s5+s3], $0x50, $0x38;
	[tilespmem:$0x5080] =	vst v63  }
0x9: {  	_ =	swait.ge [sflag:s4], $0x50  }
0xa: {  	[sflag:s4] =	ssyncset.done $0x0  }
0xb: {  	s6 =	simm.s32 $0x50;
	s7 =	simm.s32 $0x80;
	[sflag:s4] =	ssyncadd.s32 $0xFFFFFFB0  }
0xc: {  	[tilespmem:s7], [sflag:$0x1] =	stream.indirect.gather [hbm4b:s2+s6], $0x80, s3, s6, $0xb8;
	[tilespmem:$0x5080] =	vst v63  }
0xd: {  	s9 =	simm.s32 $0x2880;
	s10 =	simm.s32 $0x1;
	s8 =	sadd.s32 $0x7600, s13  }
0xe: {  	[tilespmem:s9], [sflag:$0x2] =	stream.indirect.gather [hbm4b:s8+s6], $0x80, s3, s6, $0xb8;
	[tilespmem:$0x5080] =	vst v63  }
0xf: {  	_ =	swait.ge [sflag:s10], $0x2800  }
0x10: {  	[sflag:s10] =	ssyncset.done $0x0  }
0x11: {  	s11 =	simm.s32 $0x2;
	[sflag:s10] =	ssyncadd.s32 $0xFFFFD800  }
0x12: {  	s14 =	smul.u32 $0x1400, s12;
	_ =	swait.ge [sflag:s11], $0x2800  }
0x13: {  	s24 =	sadd.s32 $0x56800, s13;
	[sflag:s11] =	ssyncset.done $0x0  }
0x14: {  	s12 =	sadd.s32 s24, s14;
	[sflag:s11] =	ssyncadd.s32 $0xFFFFD800  }
0x15: {  	[hbm4b:s12+s3] =	stream.linear.scatter [tilespmem:s7], [sflag:$0x3], $0x2800, $0x38;
	[tilespmem:$0x5080] =	vst v63  }
0x16: {  	_ =	swait.ge [sflag:s4], $0x2800  }
0x17: {  	s23 =	sadd.s32 $0x2E800, s13;
	[sflag:s4] =	ssyncset.done $0x0  }
0x18: {  	s13 =	sadd.s32 s23, s14;
	[sflag:s4] =	ssyncadd.s32 $0xFFFFD800  }
0x19: {  	[hbm4b:s13+s3] =	stream.linear.scatter [tilespmem:s9], [sflag:$0x3], $0x2800, $0x38;
	[tilespmem:$0x5080] =	vst v63  }
0x1a: {  	s15 =	sadd.s32 $0x50, s22;
	_ =	swait.ge [sflag:s4], $0x2800  }
0x1b: {  	s28 =	sshrl.u32 s15, $0x3;
	[sflag:s4] =	ssyncset.done $0x0  }
0x1c: {  	s14 =	sadd.s32 s20, s28;
	[sflag:s4] =	ssyncadd.s32 $0xFFFFD800  }
0x1d: {  	[tilespmem:s3], [sflag:$0x3] =	stream.linear.gather [hbm4b:s14+s3], $0x50, $0x38;
	[tilespmem:$0x5080] =	vst v63  }
0x1e: {  	_ =	swait.ge [sflag:s4], $0x50  }
0x1f: {  	[sflag:s4] =	ssyncset.done $0x0  }
0x20: {  	[sflag:s4] =	ssyncadd.s32 $0xFFFFFFB0  }
0x21: {  	[tilespmem:s7], [sflag:$0x1] =	stream.indirect.gather [hbm4b:s2+s6], $0x80, s3, s6, $0xb8;
	[tilespmem:$0x5080] =	vst v63  }
0x22: {  	_ = 	snop  }
0x23: {  	[tilespmem:s9], [sflag:$0x2] =	stream.indirect.gather [hbm4b:s8+s6], $0x80, s3, s6, $0xb8;
	[tilespmem:$0x5080] =	vst v63  }
0x24: {  	_ =	swait.ge [sflag:s10], $0x2800  }
0x25: {  	[sflag:s10] =	ssyncset.done $0x0  }
0x26: {  	[sflag:s10] =	ssyncadd.s32 $0xFFFFD800  }
0x27: {  	_ =	swait.ge [sflag:s11], $0x2800  }
0x28: {  	s16 =	sshll.u32 s15, $0x4;
	[sflag:s11] =	ssyncset.done $0x0  }
0x29: {  	s15 =	sadd.s32 s24, s16;
	[sflag:s11] =	ssyncadd.s32 $0xFFFFD800  }
0x2a: {  	[hbm4b:s15+s3] =	stream.linear.scatter [tilespmem:s7], [sflag:$0x3], $0x2800, $0x38;
	[tilespmem:$0x5080] =	vst v63  }
0x2b: {  	_ =	swait.ge [sflag:s4], $0x2800  }
0x2c: {  	[sflag:s4] =	ssyncset.done $0x0  }
0x2d: {  	s16 =	sadd.s32 s23, s16;
	[sflag:s4] =	ssyncadd.s32 $0xFFFFD800  }
0x2e: {  	[hbm4b:s16+s3] =	stream.linear.scatter [tilespmem:s9], [sflag:$0x3], $0x2800, $0x38;
	[tilespmem:$0x5080] =	vst v63  }
0x2f: {  	s18 =	sadd.s32 $0xA0, s22;
	_ =	swait.ge [sflag:s4], $0x2800  }
0x30: {  	s17 =	sshrl.u32 s18, $0x3;
	[sflag:s4] =	ssyncset.done $0x0  }
0x31: {  	s17 =	sadd.s32 s20, s17;
	[sflag:s4] =	ssyncadd.s32 $0xFFFFD800  }
0x32: {  	[tilespmem:s3], [sflag:$0x3] =	stream.linear.gather [hbm4b:s17+s3], $0x50, $0x38;
	[tilespmem:$0x5080] =	vst v63  }
0x33: {  	_ =	swait.ge [sflag:s4], $0x50  }
0x34: {  	[sflag:s4] =	ssyncset.done $0x0  }
0x35: {  	[sflag:s4] =	ssyncadd.s32 $0xFFFFFFB0  }
0x36: {  	[tilespmem:s7], [sflag:$0x1] =	stream.indirect.gather [hbm4b:s2+s6], $0x80, s3, s6, $0xb8;
	[tilespmem:$0x5080] =	vst v63  }
0x37: {  	_ = 	snop  }
0x38: {  	[tilespmem:s9], [sflag:$0x2] =	stream.indirect.gather [hbm4b:s8+s6], $0x80, s3, s6, $0xb8;
	[tilespmem:$0x5080] =	vst v63  }
0x39: {  	_ =	swait.ge [sflag:s10], $0x2800  }
0x3a: {  	[sflag:s10] =	ssyncset.done $0x0  }
0x3b: {  	[sflag:s10] =	ssyncadd.s32 $0xFFFFD800  }
0x3c: {  	_ =	swait.ge [sflag:s11], $0x2800  }
0x3d: {  	s19 =	sshll.u32 s18, $0x4;
	[sflag:s11] =	ssyncset.done $0x0  }
0x3e: {  	s18 =	sadd.s32 s24, s19;
	[sflag:s11] =	ssyncadd.s32 $0xFFFFD800  }
0x3f: {  	[hbm4b:s18+s3] =	stream.linear.scatter [tilespmem:s7], [sflag:$0x3], $0x2800, $0x38;
	[tilespmem:$0x5080] =	vst v63  }
0x40: {  	_ =	swait.ge [sflag:s4], $0x2800  }
0x41: {  	[sflag:s4] =	ssyncset.done $0x0  }
0x42: {  	s19 =	sadd.s32 s23, s19;
	[sflag:s4] =	ssyncadd.s32 $0xFFFFD800  }
0x43: {  	[hbm4b:s19+s3] =	stream.linear.scatter [tilespmem:s9], [sflag:$0x3], $0x2800, $0x38;
	[tilespmem:$0x5080] =	vst v63  }
0x44: {  	s22 =	sadd.s32 $0xF0, s22;
	_ =	swait.ge [sflag:s4], $0x2800  }
0x45: {  	s25 =	sshrl.u32 s22, $0x3;
	[sflag:s4] =	ssyncset.done $0x0  }
0x46: {  	s20 =	sadd.s32 s20, s25;
	[sflag:s4] =	ssyncadd.s32 $0xFFFFD800  }
0x47: {  	[tilespmem:s3], [sflag:$0x3] =	stream.linear.gather [hbm4b:s20+s3], $0x50, $0x38;
	[tilespmem:$0x5080] =	vst v63  }
0x48: {  	_ =	swait.ge [sflag:s4], $0x50  }
0x49: {  	[sflag:s4] =	ssyncset.done $0x0  }
0x4a: {  	[sflag:s4] =	ssyncadd.s32 $0xFFFFFFB0  }
0x4b: {  	[tilespmem:s7], [sflag:$0x1] =	stream.indirect.gather [hbm4b:s2+s6], $0x80, s3, s6, $0xb8;
	[tilespmem:$0x5080] =	vst v63  }
0x4c: {  	_ = 	snop  }
0x4d: {  	[tilespmem:s9], [sflag:$0x2] =	stream.indirect.gather [hbm4b:s8+s6], $0x80, s3, s6, $0xb8;
	[tilespmem:$0x5080] =	vst v63  }
0x4e: {  	_ =	swait.ge [sflag:s10], $0x2800  }
0x4f: {  	[sflag:s10] =	ssyncset.done $0x0  }
0x50: {  	s29 =	ssub.s32 $0x2, s21;
	[sflag:s10] =	ssyncadd.s32 $0xFFFFD800  }
0x51: {  	s30 =	sshrl.u32 s29, $0x1;
	s22 =	sshll.u32 s22, $0x4;
	_ =	swait.ge [sflag:s11], $0x2800  }
0x52: {  	s21 =	sadd.s32 s24, s22;
	s24 =	ssub.s32 s29, s30;
	[sflag:s11] =	ssyncset.done $0x0  }
0x53: {  	s31 =	smax.u32 s24, $0x1;
	[sflag:s11] =	ssyncadd.s32 $0xFFFFD800  }
0x54: {  	[hbm4b:s21+s3] =	stream.linear.scatter [tilespmem:s7], [sflag:$0x3], $0x2800, $0x38;
	[tilespmem:$0x5080] =	vst v63  }
0x55: {  	p0 =	sne.s32 s31, $0x1;
	_ =	swait.ge [sflag:s4], $0x2800  }
.Ltmp0:
0x56: {  	[sflag:s4] =	ssyncset.done $0x0;
	(pc) =	sbr.rel @!p0 .LBB2_2-.Ltmp0, $4  }
0x57: {  	s22 =	sadd.s32 s23, s22;
	[sflag:s4] =	ssyncadd.s32 $0xFFFFD800  }
0x58: {  	[hbm4b:s22+s3] =	stream.linear.scatter [tilespmem:s9], [sflag:$0x3], $0x2800, $0x38;
	[tilespmem:$0x5080] =	vst v63  }
0x59: {  	_ =	swait.ge [sflag:s4], $0x2800  }
0x5a: {  	s23 =	sadd.s32 $0xFFFFFFFF, s31;
	[sflag:s4] =	ssyncset.done $0x0  }
.LBB2_1:
0x5b: {  	p0 =	sne.s32 s23, $0x1;
	s23 =	sadd.s32 $0xFFFFFFFF, s23;
	[sflag:s4] =	ssyncadd.s32 $0xFFFFD800  }
0x5c: {  	[tilespmem:s3], [sflag:$0x3] =	stream.linear.gather [hbm4b:s5+s3], $0x50, $0x38;
	[tilespmem:$0x5080] =	vst v63  }
0x5d: {  	_ =	swait.ge [sflag:s4], $0x50  }
0x5e: {  	[sflag:s4] =	ssyncset.done $0x0  }
0x5f: {  	[sflag:s4] =	ssyncadd.s32 $0xFFFFFFB0  }
0x60: {  	[tilespmem:s7], [sflag:$0x1] =	stream.indirect.gather [hbm4b:s2+s6], $0x80, s3, s6, $0xb8;
	[tilespmem:$0x5080] =	vst v63  }
0x61: {  	_ = 	snop  }
0x62: {  	[tilespmem:s9], [sflag:$0x2] =	stream.indirect.gather [hbm4b:s8+s6], $0x80, s3, s6, $0xb8;
	[tilespmem:$0x5080] =	vst v63  }
0x63: {  	_ =	swait.ge [sflag:s10], $0x2800  }
0x64: {  	[sflag:s10] =	ssyncset.done $0x0  }
0x65: {  	[sflag:s10] =	ssyncadd.s32 $0xFFFFD800  }
0x66: {  	_ =	swait.ge [sflag:s11], $0x2800  }
0x67: {  	[sflag:s11] =	ssyncset.done $0x0  }
0x68: {  	[sflag:s11] =	ssyncadd.s32 $0xFFFFD800  }
0x69: {  	[hbm4b:s12+s3] =	stream.linear.scatter [tilespmem:s7], [sflag:$0x3], $0x2800, $0x38;
	[tilespmem:$0x5080] =	vst v63  }
0x6a: {  	_ =	swait.ge [sflag:s4], $0x2800  }
0x6b: {  	[sflag:s4] =	ssyncset.done $0x0  }
0x6c: {  	[sflag:s4] =	ssyncadd.s32 $0xFFFFD800  }
0x6d: {  	[hbm4b:s13+s3] =	stream.linear.scatter [tilespmem:s9], [sflag:$0x3], $0x2800, $0x38;
	[tilespmem:$0x5080] =	vst v63  }
0x6e: {  	_ =	swait.ge [sflag:s4], $0x2800  }
0x6f: {  	[sflag:s4] =	ssyncset.done $0x0  }
0x70: {  	[sflag:s4] =	ssyncadd.s32 $0xFFFFD800  }
0x71: {  	[tilespmem:s3], [sflag:$0x3] =	stream.linear.gather [hbm4b:s14+s3], $0x50, $0x38;
	[tilespmem:$0x5080] =	vst v63  }
0x72: {  	_ =	swait.ge [sflag:s4], $0x50  }
0x73: {  	[sflag:s4] =	ssyncset.done $0x0  }
0x74: {  	[sflag:s4] =	ssyncadd.s32 $0xFFFFFFB0  }
0x75: {  	[tilespmem:s7], [sflag:$0x1] =	stream.indirect.gather [hbm4b:s2+s6], $0x80, s3, s6, $0xb8;
	[tilespmem:$0x5080] =	vst v63  }
0x76: {  	_ = 	snop  }
0x77: {  	[tilespmem:s9], [sflag:$0x2] =	stream.indirect.gather [hbm4b:s8+s6], $0x80, s3, s6, $0xb8;
	[tilespmem:$0x5080] =	vst v63  }
0x78: {  	_ =	swait.ge [sflag:s10], $0x2800  }
0x79: {  	[sflag:s10] =	ssyncset.done $0x0  }
0x7a: {  	[sflag:s10] =	ssyncadd.s32 $0xFFFFD800  }
0x7b: {  	_ =	swait.ge [sflag:s11], $0x2800  }
0x7c: {  	[sflag:s11] =	ssyncset.done $0x0  }
0x7d: {  	[sflag:s11] =	ssyncadd.s32 $0xFFFFD800  }
0x7e: {  	[hbm4b:s15+s3] =	stream.linear.scatter [tilespmem:s7], [sflag:$0x3], $0x2800, $0x38;
	[tilespmem:$0x5080] =	vst v63  }
0x7f: {  	_ =	swait.ge [sflag:s4], $0x2800  }
0x80: {  	[sflag:s4] =	ssyncset.done $0x0  }
0x81: {  	[sflag:s4] =	ssyncadd.s32 $0xFFFFD800  }
0x82: {  	[hbm4b:s16+s3] =	stream.linear.scatter [tilespmem:s9], [sflag:$0x3], $0x2800, $0x38;
	[tilespmem:$0x5080] =	vst v63  }
0x83: {  	_ =	swait.ge [sflag:s4], $0x2800  }
0x84: {  	[sflag:s4] =	ssyncset.done $0x0  }
0x85: {  	[sflag:s4] =	ssyncadd.s32 $0xFFFFD800  }
0x86: {  	[tilespmem:s3], [sflag:$0x3] =	stream.linear.gather [hbm4b:s17+s3], $0x50, $0x38;
	[tilespmem:$0x5080] =	vst v63  }
0x87: {  	_ =	swait.ge [sflag:s4], $0x50  }
0x88: {  	[sflag:s4] =	ssyncset.done $0x0  }
0x89: {  	[sflag:s4] =	ssyncadd.s32 $0xFFFFFFB0  }
0x8a: {  	[tilespmem:s7], [sflag:$0x1] =	stream.indirect.gather [hbm4b:s2+s6], $0x80, s3, s6, $0xb8;
	[tilespmem:$0x5080] =	vst v63  }
0x8b: {  	_ = 	snop  }
0x8c: {  	[tilespmem:s9], [sflag:$0x2] =	stream.indirect.gather [hbm4b:s8+s6], $0x80, s3, s6, $0xb8;
	[tilespmem:$0x5080] =	vst v63  }
0x8d: {  	_ =	swait.ge [sflag:s10], $0x2800  }
0x8e: {  	[sflag:s10] =	ssyncset.done $0x0  }
0x8f: {  	[sflag:s10] =	ssyncadd.s32 $0xFFFFD800  }
0x90: {  	_ =	swait.ge [sflag:s11], $0x2800  }
0x91: {  	[sflag:s11] =	ssyncset.done $0x0  }
0x92: {  	[sflag:s11] =	ssyncadd.s32 $0xFFFFD800  }
0x93: {  	[hbm4b:s18+s3] =	stream.linear.scatter [tilespmem:s7], [sflag:$0x3], $0x2800, $0x38;
	[tilespmem:$0x5080] =	vst v63  }
0x94: {  	_ =	swait.ge [sflag:s4], $0x2800  }
0x95: {  	[sflag:s4] =	ssyncset.done $0x0  }
0x96: {  	[sflag:s4] =	ssyncadd.s32 $0xFFFFD800  }
0x97: {  	[hbm4b:s19+s3] =	stream.linear.scatter [tilespmem:s9], [sflag:$0x3], $0x2800, $0x38;
	[tilespmem:$0x5080] =	vst v63  }
0x98: {  	_ =	swait.ge [sflag:s4], $0x2800  }
0x99: {  	[sflag:s4] =	ssyncset.done $0x0  }
0x9a: {  	[sflag:s4] =	ssyncadd.s32 $0xFFFFD800  }
0x9b: {  	[tilespmem:s3], [sflag:$0x3] =	stream.linear.gather [hbm4b:s20+s3], $0x50, $0x38;
	[tilespmem:$0x5080] =	vst v63  }
0x9c: {  	_ =	swait.ge [sflag:s4], $0x50  }
0x9d: {  	[sflag:s4] =	ssyncset.done $0x0  }
0x9e: {  	[sflag:s4] =	ssyncadd.s32 $0xFFFFFFB0  }
0x9f: {  	[tilespmem:s7], [sflag:$0x1] =	stream.indirect.gather [hbm4b:s2+s6], $0x80, s3, s6, $0xb8;
	[tilespmem:$0x5080] =	vst v63  }
0xa0: {  	_ = 	snop  }
0xa1: {  	[tilespmem:s9], [sflag:$0x2] =	stream.indirect.gather [hbm4b:s8+s6], $0x80, s3, s6, $0xb8;
	[tilespmem:$0x5080] =	vst v63  }
0xa2: {  	_ =	swait.ge [sflag:s10], $0x2800  }
0xa3: {  	[sflag:s10] =	ssyncset.done $0x0  }
0xa4: {  	[sflag:s10] =	ssyncadd.s32 $0xFFFFD800  }
0xa5: {  	_ =	swait.ge [sflag:s11], $0x2800  }
0xa6: {  	[sflag:s11] =	ssyncset.done $0x0  }
0xa7: {  	[sflag:s11] =	ssyncadd.s32 $0xFFFFD800  }
0xa8: {  	[hbm4b:s21+s3] =	stream.linear.scatter [tilespmem:s7], [sflag:$0x3], $0x2800, $0x38;
	[tilespmem:$0x5080] =	vst v63  }
0xa9: {  	_ =	swait.ge [sflag:s4], $0x2800  }
.Ltmp1:
0xaa: {  	[sflag:s4] =	ssyncset.done $0x0;
	(pc) =	sbr.rel @p0 .LBB2_1-.Ltmp1, $4  }
0xab: {  	[sflag:s4] =	ssyncadd.s32 $0xFFFFD800  }
0xac: {  	[hbm4b:s22+s3] =	stream.linear.scatter [tilespmem:s9], [sflag:$0x3], $0x2800, $0x38;
	[tilespmem:$0x5080] =	vst v63  }
0xad: {  	_ =	swait.ge [sflag:s4], $0x2800  }
0xae: {  	[sflag:s4] =	ssyncset.done $0x0  }
.LBB2_2:
0xaf: {  	[sflag:s4] =	ssyncadd.s32 $0xFFFFD800  }
0xb0: {  	_ =	sfence.sel $0x180000  }
0xb1: {  	[bflag:$0x0] =	sbarrier.arrive $0xFFFF  }
0xb2: {  	p0 =	sne.s32 s0, $0x0;
	_ =	strace $0x90000047  }
0xb3: {  	s0 =	sadd.s32 @!p0 $0x100000, s1;
	[bflag:$0x2] =	sbarrier.arrive $0xFFFF  }
0xb4: {  	[sflag:s0] =	ssyncadd.tile.s32 @!p0 $0x1;
	_ =	shalt  }
.Lfunc_end2:
_tile_overlayer_lowered:
.L_overlay_start_2:
0xb5: {  	(tag) =	ssettag $0x2  }
0xb6: {  	s0 =	rddreg [dreg:$0x0];
	s2 =	stileid.u32  }
0xb7: {  	s1 =	rddreg [dreg:$0x1];
	p0 =	sne.s32 s2, $0x0  }
0xb8: {  	s3 =	rddreg [dreg:$0x2];
	[bflag:$0x3] =	sbarrier.arrive $0xFFFF;
	s2 =	simm.s32 @!p0 $0x1C03  }
0xb9: {  	[timem:s3], [sflag:s2] =	dma.local @!p0 [hbm:s0], s1  }
0xba: {  	s0 =	simm.s32 @!p0 $0x3  }
0xbb: {  	_ =	swait.ge @!p0 [sflag:s0], s1  }
0xbc: {  	s1 =	ssub.s32 @!p0 $0x0, s1;
	[sflag:s0] =	ssyncset.done @!p0 $0x0  }
0xbd: {  	[sflag:s0] =	ssyncadd.s32 @!p0 s1  }
0xbe: {  	[bflag:$0x3] =	sbarrier.arrive $0xFFFF  }
0xbf: {  	_ =	shalt  }

// kernel: kernel.16.cloned.1.call-start
scs
__scs_entry_jumppad:
0x0: {  	(pc) =	sbr.rel $0x88, $3  }
0x1: {  	(tag) =	ssettag $0x0;
	lr =	simm.s32 $0x1  }
0x2: {  	[smem:$0x3F80] =	sst lr;
	_ =	strace $0xD0000000  }
0x3: {  	_ = 	snop  }
0x4: {  	_ = 	snop  }
0x5: {  	_ = 	snop  }
0x6: {  	_ = 	snop  }
0x7: {  	_ = 	snop  }
__scs_overlays_trampoline_lowered:
0x8: {  	[smem:$0x3F8F] =	sst s0  }
0x9: {  	[smem:$0x3F90] =	sst s1  }
0xa: {  	[smem:$0x3F91] =	sst s2  }
0xb: {  	[smem:$0x3F92] =	sst s3  }
0xc: {  	[smem:$0x3F93] =	sst s4  }
0xd: {  	[smem:$0x3F94] =	sst s5  }
0xe: {  	[smem:$0x3F95] =	sst s6  }
0xf: {  	[smem:$0x3F96] =	sst s7  }
0x10: {  	[smem:$0x3F97] =	sst s8  }
0x11: {  	[smem:$0x3F98] =	sst s9;
	s0 =	simm.s32 @!p0 $0x0  }
0x12: {  	s1 =	sld [smem:$0x3F7E];
	s0 =	simm.s32 @p0 $0x1  }
0x13: {  	[smem:$0x3F99] =	sst s0;
	s0 =	simm.s32 @!p1 $0x0  }
0x14: {  	s2 =	sld [smem:$0x3F7D];
	s0 =	simm.s32 @p1 $0x1  }
0x15: {  	[smem:$0x3F9A] =	sst s0;
	s0 =	simm.s32 @!p2 $0x0  }
0x16: {  	s3 =	sld [smem:$0x3FDB];
	s0 =	simm.s32 @p2 $0x1  }
0x17: {  	s4 =	simm.s32 $0x1BF5;
	[smem:$0x3F9C] =	sst s0  }
0x18: {  	s0 =	sld [smem:$0x3F7F];
	_ =	swait.ge [sflag:s4], $0x0  }
0x19: {  	s7 =	sld [smem:$0x3F80]  }
0x1a: {  	s8 =	sadd.s32 $0xFFFFE003, lr  }
0x1b: {  	s9 =	sadd.s32 $0xFFFFFEF7, lr;
	s5 =	simm.s32 $0xFFFFFFFF;
	p2 =	slt.u32 s8, $0xFFFFF086  }
0x1c: {  	p1 =	slt.u32 s9, $0xF7A;
	s5 =	simm.s32 @!p2 $0x0  }
0x1d: {  	s5 =	simm.s32 @p1 $0x1;
	p0 =	seq.s32 s7, s2  }
0x1e: {  	s7 =	smul.u32 @!p0 $0xF7A, s2;
	p2 =	seq.s32 @!p0 s5, $0x0  }
0x1f: {  	s9 =	smul.u32 $0xF7A, s1;
	s8 =	simm.s32 @!p0 $0x1BF5;
	p2 =	por !p2, p0  }
0x20: {  	[sflag:s8] =	ssyncset.s32 @!p0 $0xFFFFF086;
	s6 =	sadd.s32 @!p0 s3, s7;
	s7 =	simm.s32 @!p0 $0x108  }
0x21: {  	s3 =	sadd.s32 s3, s9;
	s6 =	sadd.s32 @!p0 $0x88, s6;
	s7 =	simm.s32 @p2 $0x1082  }
0x22: {  	[simem:s7], [sflag:s8] =	dma.local @!p0 [hbm:s6], $0xF7A  }
0x23: {  	s9 =	sor.u32 $0xD0000000, s2;
	s6 =	simm.s32 $0x108;
	_ =	swait.ge @!p0 [sflag:s8], $0x0  }
0x24: {  	s3 =	sadd.s32 $0x88, s3;
	s6 =	simm.s32 @!p1 $0x1082;
	[sflag:s4] =	ssyncset.s32 $0xFFFFF086  }
0x25: {  	[simem:s6], [sflag:s4] =	dma.local [hbm:s3], $0xF7A  }
0x26: {  	[smem:$0x3F80] =	sst s1;
	(tag) =	ssettag s2;
	_ =	strace s9  }
0x27: {  	s1 =	sld [smem:$0x3F90]  }
0x28: {  	s2 =	sld [smem:$0x3F91]  }
0x29: {  	s4 =	sld [smem:$0x3F93]  }
0x2a: {  	p0 =	seq.s32 s5, $0x0;
	s5 =	sld [smem:$0x3F94]  }
0x2b: {  	s6 =	sld [smem:$0x3F95]  }
0x2c: {  	s7 =	sld [smem:$0x3F96]  }
0x2d: {  	s3 =	simm.s32 $0x108;
	s8 =	sld [smem:$0x3F97]  }
0x2e: {  	s3 =	simm.s32 @!p0 $0x1082;
	s9 =	sld [smem:$0x3F98]  }
0x2f: {  	lr =	sadd.s32 s0, s3;
	s0 =	sld [smem:$0x3F8F]  }
0x30: {  	s3 =	sld [smem:$0x3F92]  }
0x31: {  	[smem:$0x3F9B] =	sst s10  }
0x32: {  	s10 =	sld [smem:$0x3F99];
	_ =	sdelay $0x3  }
0x33: {  	p0 =	seq.s32 s10, $0x1;
	s10 =	sld [smem:$0x3F9B];
	_ =	sdelay $0x3  }
0x34: {  	[smem:$0x3F9B] =	sst s10  }
0x35: {  	s10 =	sld [smem:$0x3F9A];
	_ =	sdelay $0x3  }
0x36: {  	p1 =	seq.s32 s10, $0x1;
	s10 =	sld [smem:$0x3F9B];
	_ =	sdelay $0x3  }
0x37: {  	[smem:$0x3F9B] =	sst s10  }
0x38: {  	s10 =	sld [smem:$0x3F9C]  }
0x39: {  	_ = 	snop;
	(pc) =	sbr.ind lr, $3  }
0x3a: {  	_ = 	snop  }
0x3b: {  	_ = 	snop  }
0x3c: {  	p2 =	seq.s32 s10, $0x1;
	s10 =	sld [smem:$0x3F9B]  }
0x3d: {  	_ =	shalt  }
0x3e: {  	_ =	shalt  }
0x3f: {  	_ =	shalt  }
0x40: {  	_ =	shalt  }
0x41: {  	_ =	shalt  }
0x42: {  	_ =	shalt  }
0x43: {  	_ =	shalt  }
0x44: {  	_ =	shalt  }
0x45: {  	_ =	shalt  }
0x46: {  	_ =	shalt  }
0x47: {  	_ =	shalt  }
0x48: {  	_ =	shalt  }
0x49: {  	_ =	shalt  }
0x4a: {  	_ =	shalt  }
0x4b: {  	_ =	shalt  }
0x4c: {  	_ =	shalt  }
0x4d: {  	_ =	shalt  }
0x4e: {  	_ =	shalt  }
0x4f: {  	_ =	shalt  }
0x50: {  	_ =	shalt  }
0x51: {  	_ =	shalt  }
0x52: {  	_ =	shalt  }
0x53: {  	_ =	shalt  }
0x54: {  	_ =	shalt  }
0x55: {  	_ =	shalt  }
0x56: {  	_ =	shalt  }
0x57: {  	_ =	shalt  }
0x58: {  	_ =	shalt  }
0x59: {  	_ =	shalt  }
0x5a: {  	_ =	shalt  }
0x5b: {  	_ =	shalt  }
0x5c: {  	_ =	shalt  }
0x5d: {  	_ =	shalt  }
0x5e: {  	_ =	shalt  }
0x5f: {  	_ =	shalt  }
0x60: {  	_ =	shalt  }
0x61: {  	_ =	shalt  }
0x62: {  	_ =	shalt  }
0x63: {  	_ =	shalt  }
0x64: {  	_ =	shalt  }
0x65: {  	_ =	shalt  }
0x66: {  	_ =	shalt  }
0x67: {  	_ =	shalt  }
0x68: {  	_ =	shalt  }
0x69: {  	_ =	shalt  }
0x6a: {  	_ =	shalt  }
0x6b: {  	_ =	shalt  }
0x6c: {  	_ =	shalt  }
0x6d: {  	_ =	shalt  }
0x6e: {  	_ =	shalt  }
0x6f: {  	_ =	shalt  }
0x70: {  	_ =	shalt  }
0x71: {  	_ =	shalt  }
0x72: {  	_ =	shalt  }
0x73: {  	_ =	shalt  }
0x74: {  	_ =	shalt  }
0x75: {  	_ =	shalt  }
0x76: {  	_ =	shalt  }
0x77: {  	_ =	shalt  }
0x78: {  	_ =	shalt  }
0x79: {  	_ =	shalt  }
0x7a: {  	_ =	shalt  }
0x7b: {  	_ =	shalt  }
0x7c: {  	_ =	shalt  }
0x7d: {  	_ =	shalt  }
0x7e: {  	_ =	shalt  }
0x7f: {  	_ =	shalt  }
0x80: {  	_ =	shalt  }
0x81: {  	_ =	shalt  }
0x82: {  	_ =	shalt  }
0x83: {  	_ =	shalt  }
0x84: {  	_ =	shalt  }
0x85: {  	_ =	shalt  }
0x86: {  	_ =	shalt  }
0x87: {  	_ =	shalt  }
.Lfunc_end0:
.L_simem_size_0:
called_computation.1_lowered:
.L_overlay_start_0:
0x88: {  	s2 =	sld [smem:$0x3FD9]  }
0x89: {  	s3 =	sld [smem:$0x3FFE];
	_ =	sdelay $0x1  }
0x8a: {  	s1 =	srdreg.scid  }
0x8b: {  	s0 =	sand.u32 $0x1, s1  }
0x8c: {  	s16 =	sshll.u32 s0, $0xA;
	s2 =	sadd.s32 s3, s2  }
0x8d: {  	s2 =	sadd.s32 s2, s16  }
0x8e: {  	[smem:$0x3FA7] =	sst s2  }
0x8f: {  	_ = 	snop  }
0x90: {  	(tm) =	ssettm $0x1  }
0x91: {  	s17 =	sld [smem:$0x3FFB];
	_ =	sdelay $0x3  }
0x92: {  	_ =	strace s17  }
0x93: {  	s2 =	sld [smem:$0x3FFC];
	_ =	sdelay $0x3  }
0x94: {  	_ =	strace s2  }
0x95: {  	s2 =	sld [smem:$0x3FFD];
	_ =	sdelay $0x3  }
0x96: {  	_ =	strace s2  }
0x97: {  	_ =	strace $0x8FFFFFFF  }
0x98: {  	s18 =	sld [smem:$0x3FDB];
	_ =	sdelay $0x1  }
0x99: {  	s19 =	simm.s32 $_scs_section_size  }
0x9a: {  	s4 =	simm.s32 $_size__tile_overlayer_lowered;
	s5 =	simm.s32 $_tile_overlayer_lowered  }
0x9b: {  	s22 =	simm.s32 $0x1BFF;
	s21 =	sshll.u32 s5, $0x1;
	s2 =	sadd.s32 s19, s18  }
0x9c: {  	s6 =	simm.s32 $0x0;
	s20 =	sshll.u32 s4, $0x1;
	s4 =	sadd.s32 s21, s2  }
0x9d: {  	[timem:s6], [sflag:s22] =	dma.local [hbm:s4], s20  }
0x9e: {  	_ =	swait.ge [sflag:s22], s20  }
0x9f: {  	s3 =	ssub.s32 $0x0, s20;
	[sflag:s22] =	ssyncset.done $0x0  }
0xa0: {  	[sflag:s22] =	ssyncadd.s32 s3;
	_ =	sdelay $0x1  }
0xa1: {  	s23 =	simm.s32 $0x1B8B  }
0xa2: {  	_ =	swait.ge [sflag:s23], $0x1  }
0xa3: {  	[sflag:s23] =	ssyncset.done $0x0  }
0xa4: {  	s25 =	simm.s32 $0x1B8E;
	s24 =	sld [smem:$0x3FFE];
	[sflag:s23] =	ssyncadd.s32 $0xFFFFFFFF  }
0xa5: {  	s26 =	simm.s32 $execute0_lowered;
	[smem:$0x3FD2] =	sst s25  }
0xa6: {  	s4 =	sshll.u32 s26, $0x1;
	_ =	strace $0x80000049;
	[dreg:$0x1] =	wrdreg $0xFFFFFFFF  }
0xa7: {  	s28 =	simm.s32 $_size_execute0_lowered;
	s2 =	sadd.s32 s2, s4;
	[dreg:$0x0] =	wrdreg $0x0  }
0xa8: {  	s4 =	sshll.u32 s28, $0x1;
	[dreg:$0x2] =	wrdreg s2  }
0xa9: {  	[dreg:$0x3] =	wrdreg s4  }
0xaa: {  	[dreg:$0x4] =	wrdreg $0xC0  }
0xab: {  	_ =	task [dreg:s6], $0x5FFFF  }
0xac: {  	[dreg:$0x1] =	wrdreg $0xFFFFFFFF  }
0xad: {  	[dreg:$0x0] =	wrdreg $0x60  }
0xae: {  	[dreg:$0x2] =	wrdreg s24  }
0xaf: {  	[dreg:$0x3] =	wrdreg $0x0  }
0xb0: {  	[dreg:$0x4] =	wrdreg $0x9  }
0xb1: {  	_ =	task.clear_ibuf [dreg:s6], $0x5FFFF;
	_ =	strace $0x90000049  }
0xb2: {  	s29 =	simm.s32 $0x9;
	_ =	strace $0x8000004B  }
0xb3: {  	_ =	swait.ge [sflag:s29], $0x1  }
0xb4: {  	[sflag:s29] =	ssyncadd.s32 $0xFFFFFFFF  }
0xb5: {  	_ =	strace $0x9000004B  }
0xb6: {  	_ =	sfence  }
0xb7: {  	s30 =	sld [smem:$0x0];
	_ =	sdelay $0x2  }
0xb8: {  	s31 =	sshll.u32 s1, $0xD;
	s1 =	sshrl.u32 s1, $0x2  }
0xb9: {  	s3 =	sand.u32 $0x4000, s31;
	s1 =	sadd.s32 s1, s30  }
0xba: {  	s0 =	sor.u32 s3, s0;
	s1 =	sshll.u32 s1, $0x11  }
0xbb: {  	s0 =	sor.u32 s1, s0  }
0xbc: {  	s0 =	sadd.s32 $0x8F2B, s0  }
0xbd: {  	[sflag:s0] =	ssyncadd.remote.s32 $0x1  }
0xbe: {  	_ =	sfence.sel $0xFFFF  }
0xbf: {  	[dreg:$0x0] =	wrdreg $0xFFFFFFFF;
	(pc) =	sbr.abs _section_cstart, $3  }
0xc0: {  	[dreg:$0x1] =	wrdreg $0xFFFFFFFF  }
0xc1: {  	_ =	task.clear_ibuf [dreg:s6], $0x2FFFF;
	_ =	strace $0x9FFFFFFF  }
0xc2: {  	(tm) =	ssettm $0x7FFFFFFF  }
0xc3: {  	_ =	shalt  }
tec
execute0_lowered:
.L_overlay_start_1:
0x0: {  	(tag) =	ssettag $0x1  }
0x1: {  	s6 =	rddreg [dreg:$0x0]  }
0x2: {  	s0 =	srdreg.scid;
	s2 =	rddreg [dreg:$0x1]  }
0x3: {  	s3 =	simm.s32 $0x0;
	s12 =	simm.s32 $0x15400;
	s15 =	simm.s32 $0x80  }
0x4: {  	s16 =	simm.s32 $0x16800;
	s5 =	sand.u32 $0x1, s0;
	s0 =	stileid.u32  }
0x5: {  	s17 =	simm.s32 $0x1;
	s18 =	simm.s32 $0x0;
	s8 =	smul.u32 $0x14000, s0  }
0x6: {  	[smem:$0x7FF] =	sst s3;
	s4 =	sadd.s32 $0x88800, s6;
	s9 =	smul.u32 $0x140000, s5  }
0x7: {  	s1 =	sshll.u32 s5, $0x4;
	s5 =	ssub.s32 $0x2, s5;
	s30 =	smul.u32 $0x50000, s0  }
0x8: {  	s13 =	sshll.u32 s0, $0x6;
	s1 =	sor.u32 s0, s1;
	s31 =	sshrl.u32 s5, $0x1  }
0x9: {  	s13 =	sor.u32 $0x1C02, s13;
	s7 =	smul.u32 $0x280, s1;
	s1 =	rddreg [dreg:$0x2]  }
0xa: {  	_ =	strace $0x8000004A;
	s10 =	sshrl.u32 s8, $0x3;
	s8 =	sadd.s32 s8, s9  }
0xb: {  	s11 =	ssub.s32 s5, s31;
	s9 =	sshrl.u32 s30, $0x2;
	s8 =	sshrl.u32 s8, $0x3  }
0xc: {  	s10 =	sadd.s32 s10, s6;
	s14 =	sadd.s32 s9, s2;
	s9 =	smax.u32 s11, $0x1  }
0xd: {  	s11 =	simm.s32 $0x2;
	s7 =	sadd.s32 s7, s6;
	s8 =	sadd.s32 s8, s6  }
0xe: {  	s14 =	sshrl.u32 s14, $0x3;
	s5 =	sadd.s32 $0x83800, s7;
	s6 =	sadd.s32 $0x7E800, s7  }
0xf: {  	s7 =	sadd.s32 $0x7000, s10;
	s8 =	sadd.s32 $0x2F9800, s8;
	s10 =	simm.s32 $0x14000  }
.LBB2_1:
0x10: {  	[tilespmem:s10], [sflag:$0x2] =	stream.linear.gather [hbm4b:s5+s3], $0x1400, $0x38;
	[tilespmem:$0x1A800] =	vst v63  }
0x11: {  	_ =	swait.ge [sflag:s11], $0x1400  }
0x12: {  	[sflag:s11] =	ssyncset.done $0x0  }
0x13: {  	[sflag:s11] =	ssyncadd.s32 $0xFFFFEC00  }
0x14: {  	[tilespmem:s12], [sflag:$0x2] =	stream.linear.gather [hbm4b:s6+s3], $0x1400, $0x38;
	[tilespmem:$0x1A800] =	vst v63  }
0x15: {  	_ =	swait.ge [sflag:s11], $0x1400  }
0x16: {  	[sflag:s11] =	ssyncset.done $0x0  }
0x17: {  	[sflag:s11] =	ssyncadd.s32 $0xFFFFEC00  }
0x18: {  	[spmem:s14], [sflag:s13] =	dma.local [hbm:s7], $0x2800  }
0x19: {  	_ =	swait.ge [sflag:s11], $0x2800  }
0x1a: {  	[sflag:s11] =	ssyncset.done $0x0  }
0x1b: {  	[sflag:s11] =	ssyncadd.s32 $0xFFFFD800  }
0x1c: {  	s19 =	simm.s32 $0x14000;
	[bflag:$0x0] =	sbarrier.arrive $0xFFFF  }
0x1d: {  	[tilespmem:s16], [sflag:$0x1] =	stream.indirect.gather [hbm4b:s4+s15], $0x80, s19, s15, $0xb8;
	[tilespmem:$0x1A800] =	vst v63  }
0x1e: {  	_ =	swait.ge [sflag:s17], $0x4000  }
0x1f: {  	[sflag:s17] =	ssyncset.done $0x0  }
0x20: {  	s31 =	simm.s32 $0x15400;
	[sflag:s17] =	ssyncadd.s32 $0xFFFFC000  }
0x21: {  	[spmem:s2] =	stream.indirect.scatter.add.f32 [tilespmem:s16], [sflag:$0x2], $0x80, s31, s15, $0xb8;
	[tilespmem:$0x1A800] =	vst v63  }
0x22: {  	_ =	swait.ge [sflag:s11], $0x4000  }
0x23: {  	s20 =	simm.s32 $0x400;
	s19 =	simm.s32 $0x80;
	[sflag:s11] =	ssyncset.done $0x0  }
.LBB2_2:
0x24: {  	s21 =	sadd.s32 $0x14000, s19  }
0x25: {  	[sflag:s11] =	ssyncadd.s32 $0xFFFFC000;
	s22 =	smov.u32 s20;
	s23 =	sadd.s32 $0x200, s20  }
0x26: {  	[tilespmem:s16], [sflag:$0x1] =	stream.indirect.gather [hbm4b:s4+s15], $0x80, s21, s15, $0xb8;
	[tilespmem:$0x1A800] =	vst v63  }
0x27: {  	p0 =	sne.s32 s20, $0x4E00;
	_ =	swait.ge [sflag:s17], $0x4000  }
.Ltmp0:
0x28: {  	[sflag:s17] =	ssyncset.done $0x0;
	(pc) =	sbr.rel @p0 .LBB2_2-.Ltmp0, $4  }
0x29: {  	s19 =	sadd.s32 $0x15400, s19;
	[sflag:s17] =	ssyncadd.s32 $0xFFFFC000  }
0x2a: {  	[spmem:s2] =	stream.indirect.scatter.add.f32 [tilespmem:s16], [sflag:$0x2], $0x80, s19, s15, $0xb8;
	[tilespmem:$0x1A800] =	vst v63  }
0x2b: {  	_ =	swait.ge [sflag:s11], $0x4000  }
0x2c: {  	s20 =	smov.u32 s23;
	s19 =	sshra.s32 s22, $0x2;
	[sflag:s11] =	ssyncset.done $0x0  }
0x2d: {  	s20 =	sadd.s32 $0x14000, s19;
	[sflag:s11] =	ssyncadd.s32 $0xFFFFC000  }
0x2e: {  	[tilespmem:s16], [sflag:$0x1] =	stream.indirect.gather [hbm4b:s4+s15], $0x80, s20, s15, $0xb8;
	[tilespmem:$0x1A800] =	vst v63  }
0x2f: {  	_ =	swait.ge [sflag:s17], $0x4000  }
0x30: {  	[sflag:s17] =	ssyncset.done $0x0  }
0x31: {  	s31 =	sadd.s32 $0x15400, s19;
	[sflag:s17] =	ssyncadd.s32 $0xFFFFC000  }
0x32: {  	[spmem:s2] =	stream.indirect.scatter.add.f32 [tilespmem:s16], [sflag:$0x2], $0x80, s31, s15, $0xb8;
	[tilespmem:$0x1A800] =	vst v63  }
0x33: {  	_ =	swait.ge [sflag:s11], $0x4000  }
0x34: {  	s18 =	sadd.s32 $0x1, s18;
	[sflag:s11] =	ssyncset.done $0x0  }
0x35: {  	p0 =	sne.s32 s18, s9;
	[sflag:s11] =	ssyncadd.s32 $0xFFFFC000  }
.Ltmp1:
0x36: {  	[bflag:$0x0] =	sbarrier.arrive $0xFFFF;
	(pc) =	sbr.rel @p0 .LBB2_1-.Ltmp1, $4  }
0x37: {  	[hbm:s8], [sflag:s13] =	dma.local [spmem:s14], $0x2800  }
0x38: {  	_ =	swait.ge [sflag:s11], $0x2800  }
0x39: {  	[sflag:s11] =	ssyncset.done $0x0  }
0x3a: {  	[sflag:s11] =	ssyncadd.s32 $0xFFFFD800  }
0x3b: {  	_ =	sfence.sel $0x180000  }
0x3c: {  	[bflag:$0x0] =	sbarrier.arrive $0xFFFF  }
0x3d: {  	p0 =	sne.s32 s0, $0x0;
	_ =	strace $0x9000004A  }
0x3e: {  	s0 =	sadd.s32 @!p0 $0x100000, s1;
	[bflag:$0x2] =	sbarrier.arrive $0xFFFF  }
0x3f: {  	[sflag:s0] =	ssyncadd.tile.s32 @!p0 $0x1;
	_ =	shalt  }
.Lfunc_end2:
_tile_overlayer_lowered:
.L_overlay_start_2:
0x40: {  	(tag) =	ssettag $0x2  }
0x41: {  	s0 =	rddreg [dreg:$0x0];
	s2 =	stileid.u32  }
0x42: {  	s1 =	rddreg [dreg:$0x1];
	p0 =	sne.s32 s2, $0x0  }
0x43: {  	s3 =	rddreg [dreg:$0x2];
	[bflag:$0x3] =	sbarrier.arrive $0xFFFF;
	s2 =	simm.s32 @!p0 $0x1C02  }
0x44: {  	[timem:s3], [sflag:s2] =	dma.local @!p0 [hbm:s0], s1  }
0x45: {  	s0 =	simm.s32 @!p0 $0x2  }
0x46: {  	_ =	swait.ge @!p0 [sflag:s0], s1  }
0x47: {  	s1 =	ssub.s32 @!p0 $0x0, s1;
	[sflag:s0] =	ssyncset.done @!p0 $0x0  }
0x48: {  	[sflag:s0] =	ssyncadd.s32 @!p0 s1  }
0x49: {  	[bflag:$0x3] =	sbarrier.arrive $0xFFFF  }
0x4a: {  	_ =	shalt  }

// kernel: kernel.19.cloned.1.call-start
scs
__scs_entry_jumppad:
0x0: {  	(pc) =	sbr.rel $0x88, $3  }
0x1: {  	(tag) =	ssettag $0x0;
	lr =	simm.s32 $0x1  }
0x2: {  	[smem:$0x3F80] =	sst lr;
	_ =	strace $0xD0000000  }
0x3: {  	_ = 	snop  }
0x4: {  	_ = 	snop  }
0x5: {  	_ = 	snop  }
0x6: {  	_ = 	snop  }
0x7: {  	_ = 	snop  }
__scs_overlays_trampoline_lowered:
0x8: {  	[smem:$0x3F8F] =	sst s0  }
0x9: {  	[smem:$0x3F90] =	sst s1  }
0xa: {  	[smem:$0x3F91] =	sst s2  }
0xb: {  	[smem:$0x3F92] =	sst s3  }
0xc: {  	[smem:$0x3F93] =	sst s4  }
0xd: {  	[smem:$0x3F94] =	sst s5  }
0xe: {  	[smem:$0x3F95] =	sst s6  }
0xf: {  	[smem:$0x3F96] =	sst s7  }
0x10: {  	[smem:$0x3F97] =	sst s8  }
0x11: {  	[smem:$0x3F98] =	sst s9;
	s0 =	simm.s32 @!p0 $0x0  }
0x12: {  	s1 =	sld [smem:$0x3F7E];
	s0 =	simm.s32 @p0 $0x1  }
0x13: {  	[smem:$0x3F99] =	sst s0;
	s0 =	simm.s32 @!p1 $0x0  }
0x14: {  	s2 =	sld [smem:$0x3F7D];
	s0 =	simm.s32 @p1 $0x1  }
0x15: {  	[smem:$0x3F9A] =	sst s0;
	s0 =	simm.s32 @!p2 $0x0  }
0x16: {  	s3 =	sld [smem:$0x3FDB];
	s0 =	simm.s32 @p2 $0x1  }
0x17: {  	s4 =	simm.s32 $0x1BF5;
	[smem:$0x3F9C] =	sst s0  }
0x18: {  	s0 =	sld [smem:$0x3F7F];
	_ =	swait.ge [sflag:s4], $0x0  }
0x19: {  	s7 =	sld [smem:$0x3F80]  }
0x1a: {  	s8 =	sadd.s32 $0xFFFFE003, lr  }
0x1b: {  	s9 =	sadd.s32 $0xFFFFFEF7, lr;
	s5 =	simm.s32 $0xFFFFFFFF;
	p2 =	slt.u32 s8, $0xFFFFF086  }
0x1c: {  	p1 =	slt.u32 s9, $0xF7A;
	s5 =	simm.s32 @!p2 $0x0  }
0x1d: {  	s5 =	simm.s32 @p1 $0x1;
	p0 =	seq.s32 s7, s2  }
0x1e: {  	s7 =	smul.u32 @!p0 $0xF7A, s2;
	p2 =	seq.s32 @!p0 s5, $0x0  }
0x1f: {  	s9 =	smul.u32 $0xF7A, s1;
	s8 =	simm.s32 @!p0 $0x1BF5;
	p2 =	por !p2, p0  }
0x20: {  	[sflag:s8] =	ssyncset.s32 @!p0 $0xFFFFF086;
	s6 =	sadd.s32 @!p0 s3, s7;
	s7 =	simm.s32 @!p0 $0x108  }
0x21: {  	s3 =	sadd.s32 s3, s9;
	s6 =	sadd.s32 @!p0 $0x88, s6;
	s7 =	simm.s32 @p2 $0x1082  }
0x22: {  	[simem:s7], [sflag:s8] =	dma.local @!p0 [hbm:s6], $0xF7A  }
0x23: {  	s9 =	sor.u32 $0xD0000000, s2;
	s6 =	simm.s32 $0x108;
	_ =	swait.ge @!p0 [sflag:s8], $0x0  }
0x24: {  	s3 =	sadd.s32 $0x88, s3;
	s6 =	simm.s32 @!p1 $0x1082;
	[sflag:s4] =	ssyncset.s32 $0xFFFFF086  }
0x25: {  	[simem:s6], [sflag:s4] =	dma.local [hbm:s3], $0xF7A  }
0x26: {  	[smem:$0x3F80] =	sst s1;
	(tag) =	ssettag s2;
	_ =	strace s9  }
0x27: {  	s1 =	sld [smem:$0x3F90]  }
0x28: {  	s2 =	sld [smem:$0x3F91]  }
0x29: {  	s4 =	sld [smem:$0x3F93]  }
0x2a: {  	p0 =	seq.s32 s5, $0x0;
	s5 =	sld [smem:$0x3F94]  }
0x2b: {  	s6 =	sld [smem:$0x3F95]  }
0x2c: {  	s7 =	sld [smem:$0x3F96]  }
0x2d: {  	s3 =	simm.s32 $0x108;
	s8 =	sld [smem:$0x3F97]  }
0x2e: {  	s3 =	simm.s32 @!p0 $0x1082;
	s9 =	sld [smem:$0x3F98]  }
0x2f: {  	lr =	sadd.s32 s0, s3;
	s0 =	sld [smem:$0x3F8F]  }
0x30: {  	s3 =	sld [smem:$0x3F92]  }
0x31: {  	[smem:$0x3F9B] =	sst s10  }
0x32: {  	s10 =	sld [smem:$0x3F99];
	_ =	sdelay $0x3  }
0x33: {  	p0 =	seq.s32 s10, $0x1;
	s10 =	sld [smem:$0x3F9B];
	_ =	sdelay $0x3  }
0x34: {  	[smem:$0x3F9B] =	sst s10  }
0x35: {  	s10 =	sld [smem:$0x3F9A];
	_ =	sdelay $0x3  }
0x36: {  	p1 =	seq.s32 s10, $0x1;
	s10 =	sld [smem:$0x3F9B];
	_ =	sdelay $0x3  }
0x37: {  	[smem:$0x3F9B] =	sst s10  }
0x38: {  	s10 =	sld [smem:$0x3F9C]  }
0x39: {  	_ = 	snop;
	(pc) =	sbr.ind lr, $3  }
0x3a: {  	_ = 	snop  }
0x3b: {  	_ = 	snop  }
0x3c: {  	p2 =	seq.s32 s10, $0x1;
	s10 =	sld [smem:$0x3F9B]  }
0x3d: {  	_ =	shalt  }
0x3e: {  	_ =	shalt  }
0x3f: {  	_ =	shalt  }
0x40: {  	_ =	shalt  }
0x41: {  	_ =	shalt  }
0x42: {  	_ =	shalt  }
0x43: {  	_ =	shalt  }
0x44: {  	_ =	shalt  }
0x45: {  	_ =	shalt  }
0x46: {  	_ =	shalt  }
0x47: {  	_ =	shalt  }
0x48: {  	_ =	shalt  }
0x49: {  	_ =	shalt  }
0x4a: {  	_ =	shalt  }
0x4b: {  	_ =	shalt  }
0x4c: {  	_ =	shalt  }
0x4d: {  	_ =	shalt  }
0x4e: {  	_ =	shalt  }
0x4f: {  	_ =	shalt  }
0x50: {  	_ =	shalt  }
0x51: {  	_ =	shalt  }
0x52: {  	_ =	shalt  }
0x53: {  	_ =	shalt  }
0x54: {  	_ =	shalt  }
0x55: {  	_ =	shalt  }
0x56: {  	_ =	shalt  }
0x57: {  	_ =	shalt  }
0x58: {  	_ =	shalt  }
0x59: {  	_ =	shalt  }
0x5a: {  	_ =	shalt  }
0x5b: {  	_ =	shalt  }
0x5c: {  	_ =	shalt  }
0x5d: {  	_ =	shalt  }
0x5e: {  	_ =	shalt  }
0x5f: {  	_ =	shalt  }
0x60: {  	_ =	shalt  }
0x61: {  	_ =	shalt  }
0x62: {  	_ =	shalt  }
0x63: {  	_ =	shalt  }
0x64: {  	_ =	shalt  }
0x65: {  	_ =	shalt  }
0x66: {  	_ =	shalt  }
0x67: {  	_ =	shalt  }
0x68: {  	_ =	shalt  }
0x69: {  	_ =	shalt  }
0x6a: {  	_ =	shalt  }
0x6b: {  	_ =	shalt  }
0x6c: {  	_ =	shalt  }
0x6d: {  	_ =	shalt  }
0x6e: {  	_ =	shalt  }
0x6f: {  	_ =	shalt  }
0x70: {  	_ =	shalt  }
0x71: {  	_ =	shalt  }
0x72: {  	_ =	shalt  }
0x73: {  	_ =	shalt  }
0x74: {  	_ =	shalt  }
0x75: {  	_ =	shalt  }
0x76: {  	_ =	shalt  }
0x77: {  	_ =	shalt  }
0x78: {  	_ =	shalt  }
0x79: {  	_ =	shalt  }
0x7a: {  	_ =	shalt  }
0x7b: {  	_ =	shalt  }
0x7c: {  	_ =	shalt  }
0x7d: {  	_ =	shalt  }
0x7e: {  	_ =	shalt  }
0x7f: {  	_ =	shalt  }
0x80: {  	_ =	shalt  }
0x81: {  	_ =	shalt  }
0x82: {  	_ =	shalt  }
0x83: {  	_ =	shalt  }
0x84: {  	_ =	shalt  }
0x85: {  	_ =	shalt  }
0x86: {  	_ =	shalt  }
0x87: {  	_ =	shalt  }
.Lfunc_end0:
.L_simem_size_0:
called_computation.2_lowered:
.L_overlay_start_0:
0x88: {  	s2 =	sld [smem:$0x3FD9]  }
0x89: {  	s3 =	sld [smem:$0x3FFE];
	_ =	sdelay $0x1  }
0x8a: {  	s1 =	srdreg.scid  }
0x8b: {  	s0 =	sand.u32 $0x1, s1  }
0x8c: {  	s16 =	sshll.u32 s0, $0xA;
	s2 =	sadd.s32 s3, s2  }
0x8d: {  	s2 =	sadd.s32 s2, s16  }
0x8e: {  	[smem:$0x3FA7] =	sst s2  }
0x8f: {  	_ = 	snop  }
0x90: {  	(tm) =	ssettm $0x1  }
0x91: {  	s17 =	sld [smem:$0x3FFB];
	_ =	sdelay $0x3  }
0x92: {  	_ =	strace s17  }
0x93: {  	s2 =	sld [smem:$0x3FFC];
	_ =	sdelay $0x3  }
0x94: {  	_ =	strace s2  }
0x95: {  	s2 =	sld [smem:$0x3FFD];
	_ =	sdelay $0x3  }
0x96: {  	_ =	strace s2  }
0x97: {  	_ =	strace $0x8FFFFFFF  }
0x98: {  	s18 =	sld [smem:$0x3FDB];
	_ =	sdelay $0x1  }
0x99: {  	s19 =	simm.s32 $_scs_section_size  }
0x9a: {  	s4 =	simm.s32 $_size__tile_overlayer_lowered;
	s5 =	simm.s32 $_tile_overlayer_lowered  }
0x9b: {  	s22 =	simm.s32 $0x1BFF;
	s21 =	sshll.u32 s5, $0x1;
	s2 =	sadd.s32 s19, s18  }
0x9c: {  	s6 =	simm.s32 $0x0;
	s20 =	sshll.u32 s4, $0x1;
	s4 =	sadd.s32 s21, s2  }
0x9d: {  	[timem:s6], [sflag:s22] =	dma.local [hbm:s4], s20  }
0x9e: {  	_ =	swait.ge [sflag:s22], s20  }
0x9f: {  	s3 =	ssub.s32 $0x0, s20;
	[sflag:s22] =	ssyncset.done $0x0  }
0xa0: {  	[sflag:s22] =	ssyncadd.s32 s3;
	_ =	sdelay $0x1  }
0xa1: {  	s23 =	simm.s32 $0x1B8B  }
0xa2: {  	_ =	swait.ge [sflag:s23], $0x1  }
0xa3: {  	[sflag:s23] =	ssyncset.done $0x0  }
0xa4: {  	s25 =	simm.s32 $0x1B8E;
	s24 =	sld [smem:$0x3FFE];
	[sflag:s23] =	ssyncadd.s32 $0xFFFFFFFF  }
0xa5: {  	s26 =	simm.s32 $execute0_lowered;
	[smem:$0x3FD2] =	sst s25  }
0xa6: {  	s4 =	sshll.u32 s26, $0x1;
	_ =	strace $0x8000004C;
	[dreg:$0x1] =	wrdreg $0xFFFFFFFF  }
0xa7: {  	s28 =	simm.s32 $_size_execute0_lowered;
	s2 =	sadd.s32 s2, s4;
	[dreg:$0x0] =	wrdreg $0x0  }
0xa8: {  	s4 =	sshll.u32 s28, $0x1;
	[dreg:$0x2] =	wrdreg s2  }
0xa9: {  	[dreg:$0x3] =	wrdreg s4  }
0xaa: {  	[dreg:$0x4] =	wrdreg $0xC0  }
0xab: {  	_ =	task [dreg:s6], $0x5FFFF  }
0xac: {  	[dreg:$0x1] =	wrdreg $0xFFFFFFFF  }
0xad: {  	[dreg:$0x0] =	wrdreg $0x60  }
0xae: {  	[dreg:$0x2] =	wrdreg s24  }
0xaf: {  	[dreg:$0x3] =	wrdreg $0x0  }
0xb0: {  	[dreg:$0x4] =	wrdreg $0x9  }
0xb1: {  	_ =	task.clear_ibuf [dreg:s6], $0x5FFFF;
	_ =	strace $0x9000004C  }
0xb2: {  	s29 =	simm.s32 $0x9;
	_ =	strace $0x8000004E  }
0xb3: {  	_ =	swait.ge [sflag:s29], $0x1  }
0xb4: {  	[sflag:s29] =	ssyncadd.s32 $0xFFFFFFFF  }
0xb5: {  	_ =	strace $0x9000004E  }
0xb6: {  	_ =	sfence  }
0xb7: {  	s30 =	sld [smem:$0x0];
	_ =	sdelay $0x2  }
0xb8: {  	s31 =	sshll.u32 s1, $0xD;
	s1 =	sshrl.u32 s1, $0x2  }
0xb9: {  	s3 =	sand.u32 $0x4000, s31;
	s1 =	sadd.s32 s1, s30  }
0xba: {  	s0 =	sor.u32 s3, s0;
	s1 =	sshll.u32 s1, $0x11  }
0xbb: {  	s0 =	sor.u32 s1, s0  }
0xbc: {  	s0 =	sadd.s32 $0x8F2B, s0  }
0xbd: {  	[sflag:s0] =	ssyncadd.remote.s32 $0x1  }
0xbe: {  	_ =	sfence.sel $0xFFFF  }
0xbf: {  	[dreg:$0x0] =	wrdreg $0xFFFFFFFF;
	(pc) =	sbr.abs _section_cstart, $3  }
0xc0: {  	[dreg:$0x1] =	wrdreg $0xFFFFFFFF  }
0xc1: {  	_ =	task.clear_ibuf [dreg:s6], $0x2FFFF;
	_ =	strace $0x9FFFFFFF  }
0xc2: {  	(tm) =	ssettm $0x7FFFFFFF  }
0xc3: {  	_ =	shalt  }
tec
execute0_lowered:
.L_overlay_start_1:
0x0: {  	(tag) =	ssettag $0x1  }
0x1: {  	s6 =	rddreg [dreg:$0x0]  }
0x2: {  	s0 =	srdreg.scid;
	s2 =	rddreg [dreg:$0x1]  }
0x3: {  	s3 =	simm.s32 $0x0;
	s12 =	simm.s32 $0x15400;
	s15 =	simm.s32 $0x80  }
0x4: {  	s16 =	simm.s32 $0x16800;
	s5 =	sand.u32 $0x1, s0;
	s0 =	stileid.u32  }
0x5: {  	s17 =	simm.s32 $0x1;
	s18 =	simm.s32 $0x0;
	s8 =	smul.u32 $0x14000, s0  }
0x6: {  	[smem:$0x7FF] =	sst s3;
	s4 =	sadd.s32 $0x88800, s6;
	s9 =	smul.u32 $0x140000, s5  }
0x7: {  	s1 =	sshll.u32 s5, $0x4;
	s5 =	ssub.s32 $0x2, s5;
	s30 =	smul.u32 $0x50000, s0  }
0x8: {  	s13 =	sshll.u32 s0, $0x6;
	s1 =	sor.u32 s0, s1;
	s31 =	sshrl.u32 s5, $0x1  }
0x9: {  	s13 =	sor.u32 $0x1C02, s13;
	s7 =	smul.u32 $0x280, s1;
	s1 =	rddreg [dreg:$0x2]  }
0xa: {  	_ =	strace $0x8000004D;
	s10 =	sshrl.u32 s8, $0x3;
	s8 =	sadd.s32 s8, s9  }
0xb: {  	s11 =	ssub.s32 s5, s31;
	s9 =	sshrl.u32 s30, $0x2;
	s8 =	sshrl.u32 s8, $0x3  }
0xc: {  	s10 =	sadd.s32 s10, s6;
	s14 =	sadd.s32 s9, s2;
	s9 =	smax.u32 s11, $0x1  }
0xd: {  	s11 =	simm.s32 $0x2;
	s7 =	sadd.s32 s7, s6;
	s8 =	sadd.s32 s8, s6  }
0xe: {  	s14 =	sshrl.u32 s14, $0x3;
	s5 =	sadd.s32 $0x83800, s7;
	s6 =	sadd.s32 $0x7E800, s7  }
0xf: {  	s7 =	sadd.s32 $0x7000, s10;
	s8 =	sadd.s32 $0x2F9800, s8;
	s10 =	simm.s32 $0x14000  }
.LBB2_1:
0x10: {  	[tilespmem:s10], [sflag:$0x2] =	stream.linear.gather [hbm4b:s5+s3], $0x1400, $0x38;
	[tilespmem:$0x1A800] =	vst v63  }
0x11: {  	_ =	swait.ge [sflag:s11], $0x1400  }
0x12: {  	[sflag:s11] =	ssyncset.done $0x0  }
0x13: {  	[sflag:s11] =	ssyncadd.s32 $0xFFFFEC00  }
0x14: {  	[tilespmem:s12], [sflag:$0x2] =	stream.linear.gather [hbm4b:s6+s3], $0x1400, $0x38;
	[tilespmem:$0x1A800] =	vst v63  }
0x15: {  	_ =	swait.ge [sflag:s11], $0x1400  }
0x16: {  	[sflag:s11] =	ssyncset.done $0x0  }
0x17: {  	[sflag:s11] =	ssyncadd.s32 $0xFFFFEC00  }
0x18: {  	[spmem:s14], [sflag:s13] =	dma.local [hbm:s7], $0x2800  }
0x19: {  	_ =	swait.ge [sflag:s11], $0x2800  }
0x1a: {  	[sflag:s11] =	ssyncset.done $0x0  }
0x1b: {  	[sflag:s11] =	ssyncadd.s32 $0xFFFFD800  }
0x1c: {  	s19 =	simm.s32 $0x14000;
	[bflag:$0x0] =	sbarrier.arrive $0xFFFF  }
0x1d: {  	[tilespmem:s16], [sflag:$0x1] =	stream.indirect.gather [hbm4b:s4+s15], $0x80, s19, s15, $0xb8;
	[tilespmem:$0x1A800] =	vst v63  }
0x1e: {  	_ =	swait.ge [sflag:s17], $0x4000  }
0x1f: {  	[sflag:s17] =	ssyncset.done $0x0  }
0x20: {  	s31 =	simm.s32 $0x15400;
	[sflag:s17] =	ssyncadd.s32 $0xFFFFC000  }
0x21: {  	[spmem:s2] =	stream.indirect.scatter.add.f32 [tilespmem:s16], [sflag:$0x2], $0x80, s31, s15, $0xb8;
	[tilespmem:$0x1A800] =	vst v63  }
0x22: {  	_ =	swait.ge [sflag:s11], $0x4000  }
0x23: {  	s20 =	simm.s32 $0x400;
	s19 =	simm.s32 $0x80;
	[sflag:s11] =	ssyncset.done $0x0  }
.LBB2_2:
0x24: {  	s21 =	sadd.s32 $0x14000, s19  }
0x25: {  	[sflag:s11] =	ssyncadd.s32 $0xFFFFC000;
	s22 =	smov.u32 s20;
	s23 =	sadd.s32 $0x200, s20  }
0x26: {  	[tilespmem:s16], [sflag:$0x1] =	stream.indirect.gather [hbm4b:s4+s15], $0x80, s21, s15, $0xb8;
	[tilespmem:$0x1A800] =	vst v63  }
0x27: {  	p0 =	sne.s32 s20, $0x4E00;
	_ =	swait.ge [sflag:s17], $0x4000  }
.Ltmp0:
0x28: {  	[sflag:s17] =	ssyncset.done $0x0;
	(pc) =	sbr.rel @p0 .LBB2_2-.Ltmp0, $4  }
0x29: {  	s19 =	sadd.s32 $0x15400, s19;
	[sflag:s17] =	ssyncadd.s32 $0xFFFFC000  }
0x2a: {  	[spmem:s2] =	stream.indirect.scatter.add.f32 [tilespmem:s16], [sflag:$0x2], $0x80, s19, s15, $0xb8;
	[tilespmem:$0x1A800] =	vst v63  }
0x2b: {  	_ =	swait.ge [sflag:s11], $0x4000  }
0x2c: {  	s20 =	smov.u32 s23;
	s19 =	sshra.s32 s22, $0x2;
	[sflag:s11] =	ssyncset.done $0x0  }
0x2d: {  	s20 =	sadd.s32 $0x14000, s19;
	[sflag:s11] =	ssyncadd.s32 $0xFFFFC000  }
0x2e: {  	[tilespmem:s16], [sflag:$0x1] =	stream.indirect.gather [hbm4b:s4+s15], $0x80, s20, s15, $0xb8;
	[tilespmem:$0x1A800] =	vst v63  }
0x2f: {  	_ =	swait.ge [sflag:s17], $0x4000  }
0x30: {  	[sflag:s17] =	ssyncset.done $0x0  }
0x31: {  	s31 =	sadd.s32 $0x15400, s19;
	[sflag:s17] =	ssyncadd.s32 $0xFFFFC000  }
0x32: {  	[spmem:s2] =	stream.indirect.scatter.add.f32 [tilespmem:s16], [sflag:$0x2], $0x80, s31, s15, $0xb8;
	[tilespmem:$0x1A800] =	vst v63  }
0x33: {  	_ =	swait.ge [sflag:s11], $0x4000  }
0x34: {  	s18 =	sadd.s32 $0x1, s18;
	[sflag:s11] =	ssyncset.done $0x0  }
0x35: {  	p0 =	sne.s32 s18, s9;
	[sflag:s11] =	ssyncadd.s32 $0xFFFFC000  }
.Ltmp1:
0x36: {  	[bflag:$0x0] =	sbarrier.arrive $0xFFFF;
	(pc) =	sbr.rel @p0 .LBB2_1-.Ltmp1, $4  }
0x37: {  	[hbm:s8], [sflag:s13] =	dma.local [spmem:s14], $0x2800  }
0x38: {  	_ =	swait.ge [sflag:s11], $0x2800  }
0x39: {  	[sflag:s11] =	ssyncset.done $0x0  }
0x3a: {  	[sflag:s11] =	ssyncadd.s32 $0xFFFFD800  }
0x3b: {  	_ =	sfence.sel $0x180000  }
0x3c: {  	[bflag:$0x0] =	sbarrier.arrive $0xFFFF  }
0x3d: {  	p0 =	sne.s32 s0, $0x0;
	_ =	strace $0x9000004D  }
0x3e: {  	s0 =	sadd.s32 @!p0 $0x100000, s1;
	[bflag:$0x2] =	sbarrier.arrive $0xFFFF  }
0x3f: {  	[sflag:s0] =	ssyncadd.tile.s32 @!p0 $0x1;
	_ =	shalt  }
.Lfunc_end2:
_tile_overlayer_lowered:
.L_overlay_start_2:
0x40: {  	(tag) =	ssettag $0x2  }
0x41: {  	s0 =	rddreg [dreg:$0x0];
	s2 =	stileid.u32  }
0x42: {  	s1 =	rddreg [dreg:$0x1];
	p0 =	sne.s32 s2, $0x0  }
0x43: {  	s3 =	rddreg [dreg:$0x2];
	[bflag:$0x3] =	sbarrier.arrive $0xFFFF;
	s2 =	simm.s32 @!p0 $0x1C02  }
0x44: {  	[timem:s3], [sflag:s2] =	dma.local @!p0 [hbm:s0], s1  }
0x45: {  	s0 =	simm.s32 @!p0 $0x2  }
0x46: {  	_ =	swait.ge @!p0 [sflag:s0], s1  }
0x47: {  	s1 =	ssub.s32 @!p0 $0x0, s1;
	[sflag:s0] =	ssyncset.done @!p0 $0x0  }
0x48: {  	[sflag:s0] =	ssyncadd.s32 @!p0 s1  }
0x49: {  	[bflag:$0x3] =	sbarrier.arrive $0xFFFF  }
0x4a: {  	_ =	shalt  }

// kernel: kernel.22.cloned.1.call-start
scs
__scs_entry_jumppad:
0x0: {  	(pc) =	sbr.rel $0x88, $3  }
0x1: {  	(tag) =	ssettag $0x0;
	lr =	simm.s32 $0x1  }
0x2: {  	[smem:$0x3F80] =	sst lr;
	_ =	strace $0xD0000000  }
0x3: {  	_ = 	snop  }
0x4: {  	_ = 	snop  }
0x5: {  	_ = 	snop  }
0x6: {  	_ = 	snop  }
0x7: {  	_ = 	snop  }
__scs_overlays_trampoline_lowered:
0x8: {  	[smem:$0x3F8F] =	sst s0  }
0x9: {  	[smem:$0x3F90] =	sst s1  }
0xa: {  	[smem:$0x3F91] =	sst s2  }
0xb: {  	[smem:$0x3F92] =	sst s3  }
0xc: {  	[smem:$0x3F93] =	sst s4  }
0xd: {  	[smem:$0x3F94] =	sst s5  }
0xe: {  	[smem:$0x3F95] =	sst s6  }
0xf: {  	[smem:$0x3F96] =	sst s7  }
0x10: {  	[smem:$0x3F97] =	sst s8  }
0x11: {  	[smem:$0x3F98] =	sst s9;
	s0 =	simm.s32 @!p0 $0x0  }
0x12: {  	s1 =	sld [smem:$0x3F7E];
	s0 =	simm.s32 @p0 $0x1  }
0x13: {  	[smem:$0x3F99] =	sst s0;
	s0 =	simm.s32 @!p1 $0x0  }
0x14: {  	s2 =	sld [smem:$0x3F7D];
	s0 =	simm.s32 @p1 $0x1  }
0x15: {  	[smem:$0x3F9A] =	sst s0;
	s0 =	simm.s32 @!p2 $0x0  }
0x16: {  	s3 =	sld [smem:$0x3FDB];
	s0 =	simm.s32 @p2 $0x1  }
0x17: {  	s4 =	simm.s32 $0x1BF5;
	[smem:$0x3F9C] =	sst s0  }
0x18: {  	s0 =	sld [smem:$0x3F7F];
	_ =	swait.ge [sflag:s4], $0x0  }
0x19: {  	s7 =	sld [smem:$0x3F80]  }
0x1a: {  	s8 =	sadd.s32 $0xFFFFE003, lr  }
0x1b: {  	s9 =	sadd.s32 $0xFFFFFEF7, lr;
	s5 =	simm.s32 $0xFFFFFFFF;
	p2 =	slt.u32 s8, $0xFFFFF086  }
0x1c: {  	p1 =	slt.u32 s9, $0xF7A;
	s5 =	simm.s32 @!p2 $0x0  }
0x1d: {  	s5 =	simm.s32 @p1 $0x1;
	p0 =	seq.s32 s7, s2  }
0x1e: {  	s7 =	smul.u32 @!p0 $0xF7A, s2;
	p2 =	seq.s32 @!p0 s5, $0x0  }
0x1f: {  	s9 =	smul.u32 $0xF7A, s1;
	s8 =	simm.s32 @!p0 $0x1BF5;
	p2 =	por !p2, p0  }
0x20: {  	[sflag:s8] =	ssyncset.s32 @!p0 $0xFFFFF086;
	s6 =	sadd.s32 @!p0 s3, s7;
	s7 =	simm.s32 @!p0 $0x108  }
0x21: {  	s3 =	sadd.s32 s3, s9;
	s6 =	sadd.s32 @!p0 $0x88, s6;
	s7 =	simm.s32 @p2 $0x1082  }
0x22: {  	[simem:s7], [sflag:s8] =	dma.local @!p0 [hbm:s6], $0xF7A  }
0x23: {  	s9 =	sor.u32 $0xD0000000, s2;
	s6 =	simm.s32 $0x108;
	_ =	swait.ge @!p0 [sflag:s8], $0x0  }
0x24: {  	s3 =	sadd.s32 $0x88, s3;
	s6 =	simm.s32 @!p1 $0x1082;
	[sflag:s4] =	ssyncset.s32 $0xFFFFF086  }
0x25: {  	[simem:s6], [sflag:s4] =	dma.local [hbm:s3], $0xF7A  }
0x26: {  	[smem:$0x3F80] =	sst s1;
	(tag) =	ssettag s2;
	_ =	strace s9  }
0x27: {  	s1 =	sld [smem:$0x3F90]  }
0x28: {  	s2 =	sld [smem:$0x3F91]  }
0x29: {  	s4 =	sld [smem:$0x3F93]  }
0x2a: {  	p0 =	seq.s32 s5, $0x0;
	s5 =	sld [smem:$0x3F94]  }
0x2b: {  	s6 =	sld [smem:$0x3F95]  }
0x2c: {  	s7 =	sld [smem:$0x3F96]  }
0x2d: {  	s3 =	simm.s32 $0x108;
	s8 =	sld [smem:$0x3F97]  }
0x2e: {  	s3 =	simm.s32 @!p0 $0x1082;
	s9 =	sld [smem:$0x3F98]  }
0x2f: {  	lr =	sadd.s32 s0, s3;
	s0 =	sld [smem:$0x3F8F]  }
0x30: {  	s3 =	sld [smem:$0x3F92]  }
0x31: {  	[smem:$0x3F9B] =	sst s10  }
0x32: {  	s10 =	sld [smem:$0x3F99];
	_ =	sdelay $0x3  }
0x33: {  	p0 =	seq.s32 s10, $0x1;
	s10 =	sld [smem:$0x3F9B];
	_ =	sdelay $0x3  }
0x34: {  	[smem:$0x3F9B] =	sst s10  }
0x35: {  	s10 =	sld [smem:$0x3F9A];
	_ =	sdelay $0x3  }
0x36: {  	p1 =	seq.s32 s10, $0x1;
	s10 =	sld [smem:$0x3F9B];
	_ =	sdelay $0x3  }
0x37: {  	[smem:$0x3F9B] =	sst s10  }
0x38: {  	s10 =	sld [smem:$0x3F9C]  }
0x39: {  	_ = 	snop;
	(pc) =	sbr.ind lr, $3  }
0x3a: {  	_ = 	snop  }
0x3b: {  	_ = 	snop  }
0x3c: {  	p2 =	seq.s32 s10, $0x1;
	s10 =	sld [smem:$0x3F9B]  }
0x3d: {  	_ =	shalt  }
0x3e: {  	_ =	shalt  }
0x3f: {  	_ =	shalt  }
0x40: {  	_ =	shalt  }
0x41: {  	_ =	shalt  }
0x42: {  	_ =	shalt  }
0x43: {  	_ =	shalt  }
0x44: {  	_ =	shalt  }
0x45: {  	_ =	shalt  }
0x46: {  	_ =	shalt  }
0x47: {  	_ =	shalt  }
0x48: {  	_ =	shalt  }
0x49: {  	_ =	shalt  }
0x4a: {  	_ =	shalt  }
0x4b: {  	_ =	shalt  }
0x4c: {  	_ =	shalt  }
0x4d: {  	_ =	shalt  }
0x4e: {  	_ =	shalt  }
0x4f: {  	_ =	shalt  }
0x50: {  	_ =	shalt  }
0x51: {  	_ =	shalt  }
0x52: {  	_ =	shalt  }
0x53: {  	_ =	shalt  }
0x54: {  	_ =	shalt  }
0x55: {  	_ =	shalt  }
0x56: {  	_ =	shalt  }
0x57: {  	_ =	shalt  }
0x58: {  	_ =	shalt  }
0x59: {  	_ =	shalt  }
0x5a: {  	_ =	shalt  }
0x5b: {  	_ =	shalt  }
0x5c: {  	_ =	shalt  }
0x5d: {  	_ =	shalt  }
0x5e: {  	_ =	shalt  }
0x5f: {  	_ =	shalt  }
0x60: {  	_ =	shalt  }
0x61: {  	_ =	shalt  }
0x62: {  	_ =	shalt  }
0x63: {  	_ =	shalt  }
0x64: {  	_ =	shalt  }
0x65: {  	_ =	shalt  }
0x66: {  	_ =	shalt  }
0x67: {  	_ =	shalt  }
0x68: {  	_ =	shalt  }
0x69: {  	_ =	shalt  }
0x6a: {  	_ =	shalt  }
0x6b: {  	_ =	shalt  }
0x6c: {  	_ =	shalt  }
0x6d: {  	_ =	shalt  }
0x6e: {  	_ =	shalt  }
0x6f: {  	_ =	shalt  }
0x70: {  	_ =	shalt  }
0x71: {  	_ =	shalt  }
0x72: {  	_ =	shalt  }
0x73: {  	_ =	shalt  }
0x74: {  	_ =	shalt  }
0x75: {  	_ =	shalt  }
0x76: {  	_ =	shalt  }
0x77: {  	_ =	shalt  }
0x78: {  	_ =	shalt  }
0x79: {  	_ =	shalt  }
0x7a: {  	_ =	shalt  }
0x7b: {  	_ =	shalt  }
0x7c: {  	_ =	shalt  }
0x7d: {  	_ =	shalt  }
0x7e: {  	_ =	shalt  }
0x7f: {  	_ =	shalt  }
0x80: {  	_ =	shalt  }
0x81: {  	_ =	shalt  }
0x82: {  	_ =	shalt  }
0x83: {  	_ =	shalt  }
0x84: {  	_ =	shalt  }
0x85: {  	_ =	shalt  }
0x86: {  	_ =	shalt  }
0x87: {  	_ =	shalt  }
.Lfunc_end0:
.L_simem_size_0:
called_computation.3_lowered:
.L_overlay_start_0:
0x88: {  	s2 =	sld [smem:$0x3FD9]  }
0x89: {  	s3 =	sld [smem:$0x3FFE];
	_ =	sdelay $0x1  }
0x8a: {  	s1 =	srdreg.scid  }
0x8b: {  	s0 =	sand.u32 $0x1, s1  }
0x8c: {  	s16 =	sshll.u32 s0, $0xA;
	s2 =	sadd.s32 s3, s2  }
0x8d: {  	s2 =	sadd.s32 s2, s16  }
0x8e: {  	[smem:$0x3FA7] =	sst s2  }
0x8f: {  	_ = 	snop  }
0x90: {  	(tm) =	ssettm $0x1  }
0x91: {  	s17 =	sld [smem:$0x3FFB];
	_ =	sdelay $0x3  }
0x92: {  	_ =	strace s17  }
0x93: {  	s2 =	sld [smem:$0x3FFC];
	_ =	sdelay $0x3  }
0x94: {  	_ =	strace s2  }
0x95: {  	s2 =	sld [smem:$0x3FFD];
	_ =	sdelay $0x3  }
0x96: {  	_ =	strace s2  }
0x97: {  	_ =	strace $0x8FFFFFFF  }
0x98: {  	s18 =	sld [smem:$0x3FDB];
	_ =	sdelay $0x1  }
0x99: {  	s19 =	simm.s32 $_scs_section_size  }
0x9a: {  	s4 =	simm.s32 $_size__tile_overlayer_lowered;
	s5 =	simm.s32 $_tile_overlayer_lowered  }
0x9b: {  	s22 =	simm.s32 $0x1BFF;
	s21 =	sshll.u32 s5, $0x1;
	s2 =	sadd.s32 s19, s18  }
0x9c: {  	s6 =	simm.s32 $0x0;
	s20 =	sshll.u32 s4, $0x1;
	s4 =	sadd.s32 s21, s2  }
0x9d: {  	[timem:s6], [sflag:s22] =	dma.local [hbm:s4], s20  }
0x9e: {  	_ =	swait.ge [sflag:s22], s20  }
0x9f: {  	s3 =	ssub.s32 $0x0, s20;
	[sflag:s22] =	ssyncset.done $0x0  }
0xa0: {  	[sflag:s22] =	ssyncadd.s32 s3;
	_ =	sdelay $0x1  }
0xa1: {  	s23 =	simm.s32 $0x1B8B  }
0xa2: {  	_ =	swait.ge [sflag:s23], $0x1  }
0xa3: {  	[sflag:s23] =	ssyncset.done $0x0  }
0xa4: {  	s25 =	simm.s32 $0x1B8E;
	s24 =	sld [smem:$0x3FFE];
	[sflag:s23] =	ssyncadd.s32 $0xFFFFFFFF  }
0xa5: {  	s26 =	simm.s32 $execute0_lowered;
	[smem:$0x3FD2] =	sst s25  }
0xa6: {  	s4 =	sshll.u32 s26, $0x1;
	_ =	strace $0x8000004F;
	[dreg:$0x1] =	wrdreg $0xFFFFFFFF  }
0xa7: {  	s28 =	simm.s32 $_size_execute0_lowered;
	s2 =	sadd.s32 s2, s4;
	[dreg:$0x0] =	wrdreg $0x0  }
0xa8: {  	s4 =	sshll.u32 s28, $0x1;
	[dreg:$0x2] =	wrdreg s2  }
0xa9: {  	[dreg:$0x3] =	wrdreg s4  }
0xaa: {  	[dreg:$0x4] =	wrdreg $0xC0  }
0xab: {  	_ =	task [dreg:s6], $0x5FFFF  }
0xac: {  	[dreg:$0x1] =	wrdreg $0xFFFFFFFF  }
0xad: {  	[dreg:$0x0] =	wrdreg $0x60  }
0xae: {  	[dreg:$0x2] =	wrdreg s24  }
0xaf: {  	[dreg:$0x3] =	wrdreg $0x0  }
0xb0: {  	[dreg:$0x4] =	wrdreg $0x9  }
0xb1: {  	_ =	task.clear_ibuf [dreg:s6], $0x5FFFF;
	_ =	strace $0x9000004F  }
0xb2: {  	s29 =	simm.s32 $0x9;
	_ =	strace $0x80000051  }
0xb3: {  	_ =	swait.ge [sflag:s29], $0x1  }
0xb4: {  	[sflag:s29] =	ssyncadd.s32 $0xFFFFFFFF  }
0xb5: {  	_ =	strace $0x90000051  }
0xb6: {  	_ =	sfence  }
0xb7: {  	s30 =	sld [smem:$0x0];
	_ =	sdelay $0x2  }
0xb8: {  	s31 =	sshll.u32 s1, $0xD;
	s1 =	sshrl.u32 s1, $0x2  }
0xb9: {  	s3 =	sand.u32 $0x4000, s31;
	s1 =	sadd.s32 s1, s30  }
0xba: {  	s0 =	sor.u32 s3, s0;
	s1 =	sshll.u32 s1, $0x11  }
0xbb: {  	s0 =	sor.u32 s1, s0  }
0xbc: {  	s0 =	sadd.s32 $0x8F2B, s0  }
0xbd: {  	[sflag:s0] =	ssyncadd.remote.s32 $0x1  }
0xbe: {  	_ =	sfence.sel $0xFFFF  }
0xbf: {  	[dreg:$0x0] =	wrdreg $0xFFFFFFFF;
	(pc) =	sbr.abs _section_cstart, $3  }
0xc0: {  	[dreg:$0x1] =	wrdreg $0xFFFFFFFF  }
0xc1: {  	_ =	task.clear_ibuf [dreg:s6], $0x2FFFF;
	_ =	strace $0x9FFFFFFF  }
0xc2: {  	(tm) =	ssettm $0x7FFFFFFF  }
0xc3: {  	_ =	shalt  }
tec
execute0_lowered:
.L_overlay_start_1:
0x0: {  	(tag) =	ssettag $0x1  }
0x1: {  	s6 =	rddreg [dreg:$0x0]  }
0x2: {  	s0 =	srdreg.scid;
	s2 =	rddreg [dreg:$0x1]  }
0x3: {  	s3 =	simm.s32 $0x0;
	s12 =	simm.s32 $0x15400;
	s15 =	simm.s32 $0x80  }
0x4: {  	s16 =	simm.s32 $0x16800;
	s5 =	sand.u32 $0x1, s0;
	s0 =	stileid.u32  }
0x5: {  	s17 =	simm.s32 $0x1;
	s18 =	simm.s32 $0x0;
	s8 =	smul.u32 $0x14000, s0  }
0x6: {  	[smem:$0x7FF] =	sst s3;
	s4 =	sadd.s32 $0x88800, s6;
	s9 =	smul.u32 $0x140000, s5  }
0x7: {  	s1 =	sshll.u32 s5, $0x4;
	s5 =	ssub.s32 $0x2, s5;
	s30 =	smul.u32 $0x50000, s0  }
0x8: {  	s13 =	sshll.u32 s0, $0x6;
	s1 =	sor.u32 s0, s1;
	s31 =	sshrl.u32 s5, $0x1  }
0x9: {  	s13 =	sor.u32 $0x1C02, s13;
	s7 =	smul.u32 $0x280, s1;
	s1 =	rddreg [dreg:$0x2]  }
0xa: {  	_ =	strace $0x80000050;
	s10 =	sshrl.u32 s8, $0x3;
	s8 =	sadd.s32 s8, s9  }
0xb: {  	s11 =	ssub.s32 s5, s31;
	s9 =	sshrl.u32 s30, $0x2;
	s8 =	sshrl.u32 s8, $0x3  }
0xc: {  	s10 =	sadd.s32 s10, s6;
	s14 =	sadd.s32 s9, s2;
	s9 =	smax.u32 s11, $0x1  }
0xd: {  	s11 =	simm.s32 $0x2;
	s7 =	sadd.s32 s7, s6;
	s8 =	sadd.s32 s8, s6  }
0xe: {  	s14 =	sshrl.u32 s14, $0x3;
	s5 =	sadd.s32 $0x83800, s7;
	s6 =	sadd.s32 $0x7E800, s7  }
0xf: {  	s7 =	sadd.s32 $0x7000, s10;
	s8 =	sadd.s32 $0x2F9800, s8;
	s10 =	simm.s32 $0x14000  }
.LBB2_1:
0x10: {  	[tilespmem:s10], [sflag:$0x2] =	stream.linear.gather [hbm4b:s5+s3], $0x1400, $0x38;
	[tilespmem:$0x1A800] =	vst v63  }
0x11: {  	_ =	swait.ge [sflag:s11], $0x1400  }
0x12: {  	[sflag:s11] =	ssyncset.done $0x0  }
0x13: {  	[sflag:s11] =	ssyncadd.s32 $0xFFFFEC00  }
0x14: {  	[tilespmem:s12], [sflag:$0x2] =	stream.linear.gather [hbm4b:s6+s3], $0x1400, $0x38;
	[tilespmem:$0x1A800] =	vst v63  }
0x15: {  	_ =	swait.ge [sflag:s11], $0x1400  }
0x16: {  	[sflag:s11] =	ssyncset.done $0x0  }
0x17: {  	[sflag:s11] =	ssyncadd.s32 $0xFFFFEC00  }
0x18: {  	[spmem:s14], [sflag:s13] =	dma.local [hbm:s7], $0x2800  }
0x19: {  	_ =	swait.ge [sflag:s11], $0x2800  }
0x1a: {  	[sflag:s11] =	ssyncset.done $0x0  }
0x1b: {  	[sflag:s11] =	ssyncadd.s32 $0xFFFFD800  }
0x1c: {  	s19 =	simm.s32 $0x14000;
	[bflag:$0x0] =	sbarrier.arrive $0xFFFF  }
0x1d: {  	[tilespmem:s16], [sflag:$0x1] =	stream.indirect.gather [hbm4b:s4+s15], $0x80, s19, s15, $0xb8;
	[tilespmem:$0x1A800] =	vst v63  }
0x1e: {  	_ =	swait.ge [sflag:s17], $0x4000  }
0x1f: {  	[sflag:s17] =	ssyncset.done $0x0  }
0x20: {  	s31 =	simm.s32 $0x15400;
	[sflag:s17] =	ssyncadd.s32 $0xFFFFC000  }
0x21: {  	[spmem:s2] =	stream.indirect.scatter.add.f32 [tilespmem:s16], [sflag:$0x2], $0x80, s31, s15, $0xb8;
	[tilespmem:$0x1A800] =	vst v63  }
0x22: {  	_ =	swait.ge [sflag:s11], $0x4000  }
0x23: {  	s20 =	simm.s32 $0x400;
	s19 =	simm.s32 $0x80;
	[sflag:s11] =	ssyncset.done $0x0  }
.LBB2_2:
0x24: {  	s21 =	sadd.s32 $0x14000, s19  }
0x25: {  	[sflag:s11] =	ssyncadd.s32 $0xFFFFC000;
	s22 =	smov.u32 s20;
	s23 =	sadd.s32 $0x200, s20  }
0x26: {  	[tilespmem:s16], [sflag:$0x1] =	stream.indirect.gather [hbm4b:s4+s15], $0x80, s21, s15, $0xb8;
	[tilespmem:$0x1A800] =	vst v63  }
0x27: {  	p0 =	sne.s32 s20, $0x4E00;
	_ =	swait.ge [sflag:s17], $0x4000  }
.Ltmp0:
0x28: {  	[sflag:s17] =	ssyncset.done $0x0;
	(pc) =	sbr.rel @p0 .LBB2_2-.Ltmp0, $4  }
0x29: {  	s19 =	sadd.s32 $0x15400, s19;
	[sflag:s17] =	ssyncadd.s32 $0xFFFFC000  }
0x2a: {  	[spmem:s2] =	stream.indirect.scatter.add.f32 [tilespmem:s16], [sflag:$0x2], $0x80, s19, s15, $0xb8;
	[tilespmem:$0x1A800] =	vst v63  }
0x2b: {  	_ =	swait.ge [sflag:s11], $0x4000  }
0x2c: {  	s20 =	smov.u32 s23;
	s19 =	sshra.s32 s22, $0x2;
	[sflag:s11] =	ssyncset.done $0x0  }
0x2d: {  	s20 =	sadd.s32 $0x14000, s19;
	[sflag:s11] =	ssyncadd.s32 $0xFFFFC000  }
0x2e: {  	[tilespmem:s16], [sflag:$0x1] =	stream.indirect.gather [hbm4b:s4+s15], $0x80, s20, s15, $0xb8;
	[tilespmem:$0x1A800] =	vst v63  }
0x2f: {  	_ =	swait.ge [sflag:s17], $0x4000  }
0x30: {  	[sflag:s17] =	ssyncset.done $0x0  }
0x31: {  	s31 =	sadd.s32 $0x15400, s19;
	[sflag:s17] =	ssyncadd.s32 $0xFFFFC000  }
0x32: {  	[spmem:s2] =	stream.indirect.scatter.add.f32 [tilespmem:s16], [sflag:$0x2], $0x80, s31, s15, $0xb8;
	[tilespmem:$0x1A800] =	vst v63  }
0x33: {  	_ =	swait.ge [sflag:s11], $0x4000  }
0x34: {  	s18 =	sadd.s32 $0x1, s18;
	[sflag:s11] =	ssyncset.done $0x0  }
0x35: {  	p0 =	sne.s32 s18, s9;
	[sflag:s11] =	ssyncadd.s32 $0xFFFFC000  }
.Ltmp1:
0x36: {  	[bflag:$0x0] =	sbarrier.arrive $0xFFFF;
	(pc) =	sbr.rel @p0 .LBB2_1-.Ltmp1, $4  }
0x37: {  	[hbm:s8], [sflag:s13] =	dma.local [spmem:s14], $0x2800  }
0x38: {  	_ =	swait.ge [sflag:s11], $0x2800  }
0x39: {  	[sflag:s11] =	ssyncset.done $0x0  }
0x3a: {  	[sflag:s11] =	ssyncadd.s32 $0xFFFFD800  }
0x3b: {  	_ =	sfence.sel $0x180000  }
0x3c: {  	[bflag:$0x0] =	sbarrier.arrive $0xFFFF  }
0x3d: {  	p0 =	sne.s32 s0, $0x0;
	_ =	strace $0x90000050  }
0x3e: {  	s0 =	sadd.s32 @!p0 $0x100000, s1;
	[bflag:$0x2] =	sbarrier.arrive $0xFFFF  }
0x3f: {  	[sflag:s0] =	ssyncadd.tile.s32 @!p0 $0x1;
	_ =	shalt  }
.Lfunc_end2:
_tile_overlayer_lowered:
.L_overlay_start_2:
0x40: {  	(tag) =	ssettag $0x2  }
0x41: {  	s0 =	rddreg [dreg:$0x0];
	s2 =	stileid.u32  }
0x42: {  	s1 =	rddreg [dreg:$0x1];
	p0 =	sne.s32 s2, $0x0  }
0x43: {  	s3 =	rddreg [dreg:$0x2];
	[bflag:$0x3] =	sbarrier.arrive $0xFFFF;
	s2 =	simm.s32 @!p0 $0x1C02  }
0x44: {  	[timem:s3], [sflag:s2] =	dma.local @!p0 [hbm:s0], s1  }
0x45: {  	s0 =	simm.s32 @!p0 $0x2  }
0x46: {  	_ =	swait.ge @!p0 [sflag:s0], s1  }
0x47: {  	s1 =	ssub.s32 @!p0 $0x0, s1;
	[sflag:s0] =	ssyncset.done @!p0 $0x0  }
0x48: {  	[sflag:s0] =	ssyncadd.s32 @!p0 s1  }
0x49: {  	[bflag:$0x3] =	sbarrier.arrive $0xFFFF  }
0x4a: {  	_ =	shalt  }

</sc_bundles>
